<compile_context>
chip_gen: v7x
topology: tpu7x:2x2x1
jax: 0.10.2.dev20260603
libtpu: 0.0.44.dev20260713+nightly
codegen_flags: <defaults>
</compile_context>

<pallas_src>
import functools

import jax
import jax.numpy as jnp
from jax import lax
from jax.experimental import pallas as pl
from jax.experimental.pallas import tpu as pltpu
from jax.experimental.pallas import tpu_sc as plsc

N = 10000
NPAD = 10240
E = 320000
G = 64
D = 128
VOCAB = 20215
NW = 32
RPW = NPAD // NW
EPW = E // NW
ECH = 128
NFULL = EPW // ECH
ETAIL = EPW - NFULL * ECH
ROWB = 256
PADC = 768
NCOL = NPAD + 2 * PADC
BAND = 1792
RWIN = 1280
SENT_ROW = 1000000
SENT_COL = 2000000
NEG = float("-inf")


def _sc_gather(emb, xpad):
    mesh = plsc.VectorSubcoreMesh(core_axis_name="c", subcore_axis_name="s")
    CH = 80

    @functools.partial(
        pl.kernel, mesh=mesh,
        out_type=jax.ShapeDtypeStruct((NPAD, D), jnp.float32),
        scratch_types=[
            pltpu.VMEM((CH,), jnp.int32),
            pltpu.VMEM((CH, D), jnp.float32),
            pltpu.SemaphoreType.DMA,
        ],
    )
    def k(emb_hbm, idx_hbm, out_hbm, idx_v, rows_v, sem):
        wid = lax.axis_index("s") * 2 + lax.axis_index("c")
        base = wid * RPW
        for j in range(RPW // CH):
            off = base + j * CH
            pltpu.sync_copy(idx_hbm.at[pl.ds(off, CH)], idx_v)
            pltpu.async_copy(emb_hbm.at[idx_v], rows_v, sem).wait()
            pltpu.sync_copy(rows_v, out_hbm.at[pl.ds(off, CH)])

    return k(emb, xpad)


def _sc_edges(h, src, dst, zrows, ones_f):
    mesh = plsc.VectorSubcoreMesh(core_axis_name="c", subcore_axis_name="s")
    ZR = NPAD // 16

    @functools.partial(
        pl.kernel, mesh=mesh,
        out_type=(jax.ShapeDtypeStruct((2, NPAD, D), jnp.float32),
                  jax.ShapeDtypeStruct((2, NPAD, D), jnp.float32)),
        scratch_types=[
            pltpu.VMEM((ECH,), jnp.int32),
            pltpu.VMEM((ECH,), jnp.int32),
            pltpu.VMEM((ECH, D), jnp.float32),
            pltpu.VMEM((ETAIL,), jnp.int32),
            pltpu.VMEM((ETAIL,), jnp.int32),
            pltpu.VMEM((ETAIL, D), jnp.float32),
            pltpu.VMEM_SHARED((NPAD, D), jnp.float32),
            pltpu.SemaphoreType.DMA,
        ],
    )
    def k(h_hbm, src_hbm, dst_hbm, zrows_hbm, ones_hbm, agg_hbm, cnt_hbm,
          src_v, dst_v, rows_v, srct_v, dstt_v, rowst_v, agg_sh, sem):
        cid = lax.axis_index("c")
        sid = lax.axis_index("s")
        wid = sid * 2 + cid
        ebase = wid * EPW
        toff = ebase + NFULL * ECH

        pltpu.sync_copy(zrows_hbm, agg_sh.at[pl.ds(sid * ZR, ZR)])
        plsc.subcore_barrier()

        def body(i, carry):
            off = ebase + i * ECH
            pltpu.sync_copy(src_hbm.at[pl.ds(off, ECH)], src_v)
            pltpu.sync_copy(dst_hbm.at[pl.ds(off, ECH)], dst_v)
            pltpu.async_copy(h_hbm.at[src_v], rows_v, sem).wait()
            pltpu.sync_copy(rows_v, agg_sh.at[dst_v], add=True)
            return carry

        lax.fori_loop(0, NFULL, body, 0)
        pltpu.sync_copy(src_hbm.at[pl.ds(toff, ETAIL)], srct_v)
        pltpu.sync_copy(dst_hbm.at[pl.ds(toff, ETAIL)], dstt_v)
        pltpu.async_copy(h_hbm.at[srct_v], rowst_v, sem).wait()
        pltpu.sync_copy(rowst_v, agg_sh.at[dstt_v], add=True)
        plsc.subcore_barrier()
        pltpu.sync_copy(agg_sh.at[pl.ds(sid * ZR, ZR)],
                        agg_hbm.at[cid, pl.ds(sid * ZR, ZR)])
        plsc.subcore_barrier()

        pltpu.sync_copy(zrows_hbm, agg_sh.at[pl.ds(sid * ZR, ZR)])
        pltpu.sync_copy(ones_hbm, rows_v)
        plsc.subcore_barrier()

        def body2(i, carry):
            off = ebase + i * ECH
            pltpu.sync_copy(dst_hbm.at[pl.ds(off, ECH)], dst_v)
            pltpu.sync_copy(rows_v, agg_sh.at[dst_v], add=True)
            return carry

        lax.fori_loop(0, NFULL, body2, 0)
        pltpu.sync_copy(dst_hbm.at[pl.ds(toff, ETAIL)], dstt_v)
        pltpu.sync_copy(rows_v.at[pl.ds(0, ETAIL)], agg_sh.at[dstt_v],
                        add=True)
        plsc.subcore_barrier()
        pltpu.sync_copy(agg_sh.at[pl.ds(sid * ZR, ZR)],
                        cnt_hbm.at[cid, pl.ds(sid * ZR, ZR)])

    return k(h, src, dst, zrows, ones_f)


def _dense_body(h_ref, a0_ref, a1_ref, c0_ref, c1_ref, seg_ref,
                wl_ref, bl_ref, wr_ref, w1_ref, w2_ref,
                hs_ref, s1_ref, p2_ref, cnts_ref):
    i = pl.program_id(0)
    cnt = c0_ref[:, :1] + c1_ref[:, :1]
    agg = (a0_ref[...] + a1_ref[...]) / jnp.maximum(cnt, 1.0)
    h = h_ref[...]
    hs = jax.lax.dot_general(agg, wl_ref[...], (((1,), (1,)), ((), ())),
                             preferred_element_type=jnp.float32)
    hs = hs + bl_ref[...] + jax.lax.dot_general(
        h, wr_ref[...], (((1,), (1,)), ((), ())),
        preferred_element_type=jnp.float32)
    hs = jnp.maximum(hs, 0.0)
    hs_ref[...] = hs
    w1 = w1_ref[...]
    w2 = w2_ref[...]
    n1 = jax.lax.rsqrt(jnp.sum(w1 * w1))
    n2 = jax.lax.rsqrt(jnp.sum(w2 * w2))
    s1_ref[...] = jnp.tanh(jax.lax.dot_general(
        hs, w1, (((1,), (1,)), ((), ())), preferred_element_type=jnp.float32) * n1)
    p2_ref[...] = jax.lax.dot_general(
        hs, w2, (((1,), (1,)), ((), ())), preferred_element_type=jnp.float32) * n2
    gid = jax.lax.broadcasted_iota(jnp.int32, (1, G), 1)
    onehot = (seg_ref[...] == gid).astype(jnp.int32)

    @pl.when(i == 0)
    def _():
        cnts_ref[...] = jnp.zeros_like(cnts_ref)

    cnts_ref[...] += jnp.sum(onehot, axis=0, keepdims=True)


def _tc_dense(h, a0, a1, c0, c1, segrow, W_l, b_l, W_r, w1, w2):
    nb = NPAD // ROWB
    return pl.pallas_call(
        _dense_body,
        grid=(nb,),
        in_specs=[
            pl.BlockSpec((ROWB, D), lambda i: (i, 0)),
            pl.BlockSpec((ROWB, D), lambda i: (i, 0)),
            pl.BlockSpec((ROWB, D), lambda i: (i, 0)),
            pl.BlockSpec((ROWB, D), lambda i: (i, 0)),
            pl.BlockSpec((ROWB, D), lambda i: (i, 0)),
            pl.BlockSpec((ROWB, 1), lambda i: (i, 0)),
            pl.BlockSpec((D, D), lambda i: (0, 0)),
            pl.BlockSpec((1, D), lambda i: (0, 0)),
            pl.BlockSpec((D, D), lambda i: (0, 0)),
            pl.BlockSpec((1, D), lambda i: (0, 0)),
            pl.BlockSpec((1, D), lambda i: (0, 0)),
        ],
        out_specs=[
            pl.BlockSpec((ROWB, D), lambda i: (i, 0)),
            pl.BlockSpec((ROWB, 1), lambda i: (i, 0)),
            pl.BlockSpec((ROWB, 1), lambda i: (i, 0)),
            pl.BlockSpec((1, G), lambda i: (0, 0)),
        ],
        out_shape=[
            jax.ShapeDtypeStruct((NPAD, D), jnp.float32),
            jax.ShapeDtypeStruct((NPAD, 1), jnp.float32),
            jax.ShapeDtypeStruct((NPAD, 1), jnp.float32),
            jax.ShapeDtypeStruct((1, G), jnp.int32),
        ],
    )(h, a0, a1, c0, c1, segrow, W_l, b_l, W_r, w1, w2)


def _k_from_counts(c):
    k1 = jnp.maximum((4 * c + 4) // 5, 1)
    k2 = jnp.maximum((4 * k1 + 4) // 5, 1)
    return k1, k2


def _rank_block(i, srow, seg_row, scol, seg_col):
    posr = i * ROWB + jax.lax.broadcasted_iota(jnp.int32, (ROWB, 1), 0)
    posc = i * ROWB - PADC + jax.lax.broadcasted_iota(jnp.int32, (1, BAND), 1)
    seg_eq = seg_row == seg_col
    gt = scol > srow
    tie = (scol == srow) & (posc < posr)
    return jnp.sum((seg_eq & (gt | tie)).astype(jnp.int32), axis=1,
                   keepdims=True)


def _krow(seg_row, kvec):
    gid = jax.lax.broadcasted_iota(jnp.int32, (1, G), 1)
    return jnp.sum(jnp.where(seg_row == gid, kvec, 0), axis=1, keepdims=True)


def _rank1_body(s1_ref, seg_ref, s1c_ref, segc_ref, cnts_ref, m1_ref, v1_ref):
    i = pl.program_id(0)
    srow = s1_ref[...]
    scol = s1c_ref[:, pl.ds(i * ROWB, BAND)]
    segc = segc_ref[:, pl.ds(i * ROWB, BAND)]
    rank = _rank_block(i, srow, seg_ref[...], scol, segc)
    k1, _ = _k_from_counts(cnts_ref[...])
    mask = rank < _krow(seg_ref[...], k1)
    m1_ref[...] = mask.astype(jnp.float32)
    v1_ref[...] = jnp.where(mask, srow, 0.0)


def _tc_rank1(s1, segrow, s1col, segcol, counts):
    nb = NPAD // ROWB
    return pl.pallas_call(
        _rank1_body,
        grid=(nb,),
        in_specs=[
            pl.BlockSpec((ROWB, 1), lambda i: (i, 0)),
            pl.BlockSpec((ROWB, 1), lambda i: (i, 0)),
            pl.BlockSpec((1, NCOL), lambda i: (0, 0)),
            pl.BlockSpec((1, NCOL), lambda i: (0, 0)),
            pl.BlockSpec((1, G), lambda i: (0, 0)),
        ],
        out_specs=[
            pl.BlockSpec((ROWB, 1), lambda i: (i, 0)),
            pl.BlockSpec((ROWB, 1), lambda i: (i, 0)),
        ],
        out_shape=[
            jax.ShapeDtypeStruct((NPAD, 1), jnp.float32),
            jax.ShapeDtypeStruct((NPAD, 1), jnp.float32),
        ],
    )(s1, segrow, s1col, segcol, counts)


def _rank2_body(v1_ref, m1_ref, p2_ref, seg_ref, v1c_ref, m1c_ref, p2c_ref,
                segc_ref, cnts_ref, m2_ref, v2_ref):
    i = pl.program_id(0)
    s2row = jnp.where(m1_ref[...] > 0.0, jnp.tanh(v1_ref[...] * p2_ref[...]),
                      NEG)
    v1c = v1c_ref[:, pl.ds(i * ROWB, BAND)]
    m1c = m1c_ref[:, pl.ds(i * ROWB, BAND)]
    p2c = p2c_ref[:, pl.ds(i * ROWB, BAND)]
    s2col = jnp.where(m1c > 0.0, jnp.tanh(v1c * p2c), NEG)
    segc = segc_ref[:, pl.ds(i * ROWB, BAND)]
    rank = _rank_block(i, s2row, seg_ref[...], s2col, segc)
    _, k2 = _k_from_counts(cnts_ref[...])
    mask = rank < _krow(seg_ref[...], k2)
    m2_ref[...] = mask.astype(jnp.float32)
    v2_ref[...] = jnp.where(mask, s2row, 0.0)


def _tc_rank2(v1, m1, p2, segrow, v1col, m1col, p2col, segcol, counts):
    nb = NPAD // ROWB
    full = pl.BlockSpec((1, NCOL), lambda i: (0, 0))
    blk = pl.BlockSpec((ROWB, 1), lambda i: (i, 0))
    return pl.pallas_call(
        _rank2_body,
        grid=(nb,),
        in_specs=[blk, blk, blk, blk, full, full, full, full,
                  pl.BlockSpec((1, G), lambda i: (0, 0))],
        out_specs=[blk, blk],
        out_shape=[
            jax.ShapeDtypeStruct((NPAD, 1), jnp.float32),
            jax.ShapeDtypeStruct((NPAD, 1), jnp.float32),
        ],
    )(v1, m1, p2, segrow, v1col, m1col, p2col, segcol, counts)


def _readout_body(cnts_ref, hs_ref, v1_ref, m1_ref, v2_ref, m2_ref, out_ref):
    g = pl.program_id(0)

    def body(gg, acc):
        return acc + jnp.where(gg < g, cnts_ref[0, gg], 0)

    start = lax.fori_loop(0, G, body, jnp.int32(0))
    cnt = cnts_ref[0, g]
    k1 = jnp.maximum((4 * cnt + 4) // 5, 1)
    k2 = jnp.maximum((4 * k1 + 4) // 5, 1)
    aligned = jnp.minimum((start // 8) * 8, NPAD - RWIN)
    rows = hs_ref[pl.ds(aligned, RWIN), :]
    v1 = v1_ref[pl.ds(aligned, RWIN), :]
    m1 = m1_ref[pl.ds(aligned, RWIN), :]
    v2 = v2_ref[pl.ds(aligned, RWIN), :]
    m2 = m2_ref[pl.ds(aligned, RWIN), :]
    pos = aligned + jax.lax.broadcasted_iota(jnp.int32, (RWIN, 1), 0)
    inseg = (pos >= start) & (pos < start + cnt)
    g1 = rows * v1
    sel1 = inseg & (m1 > 0.0)
    x1max = jnp.max(jnp.where(sel1, g1, NEG), axis=0, keepdims=True)
    x1mean = jnp.sum(jnp.where(sel1, g1, 0.0), axis=0,
                     keepdims=True) / k1.astype(jnp.float32)
    g2 = g1 * v2
    sel2 = inseg & (m2 > 0.0)
    x2max = jnp.max(jnp.where(sel2, g2, NEG), axis=0, keepdims=True)
    x2mean = jnp.sum(jnp.where(sel2, g2, 0.0), axis=0,
                     keepdims=True) / k2.astype(jnp.float32)
    out_ref[...] = jnp.concatenate([x1max + x2max, x1mean + x2mean],
                                   axis=1).reshape(1, 1, 2 * D)


def _tc_readout(counts, hs, v1, m1, v2, m2):
    fullcol = pl.BlockSpec((NPAD, 1), lambda g: (0, 0))
    return pl.pallas_call(
        _readout_body,
        grid=(G,),
        in_specs=[
            pl.BlockSpec(memory_space=pltpu.SMEM),
            pl.BlockSpec((NPAD, D), lambda g: (0, 0)),
            fullcol, fullcol, fullcol, fullcol,
        ],
        out_specs=pl.BlockSpec((1, 1, 2 * D), lambda g: (g, 0, 0)),
        out_shape=jax.ShapeDtypeStruct((G, 1, 2 * D), jnp.float32),
    )(counts, hs, v1, m1, v2, m2)


def _mlp_body(x_ref, w1_ref, b1_ref, w3_ref, b3_ref, out_ref):
    y = jax.lax.dot_general(x_ref[...], w1_ref[...], (((1,), (1,)), ((), ())),
                            preferred_element_type=jnp.float32)
    y = jnp.maximum(y + b1_ref[...], 0.0)
    z = jnp.sum(y * w3_ref[...], axis=1, keepdims=True) + b3_ref[0, 0]
    out_ref[...] = jax.nn.sigmoid(z)


def _tc_mlp(x12, lin1_W, lin1_b, lin3_W, lin3_b):
    return pl.pallas_call(
        _mlp_body,
        in_specs=[
            pl.BlockSpec((G, 2 * D), lambda: (0, 0)),
            pl.BlockSpec((G, 2 * D), lambda: (0, 0)),
            pl.BlockSpec((1, G), lambda: (0, 0)),
            pl.BlockSpec((1, G), lambda: (0, 0)),
            pl.BlockSpec(memory_space=pltpu.SMEM),
        ],
        out_specs=pl.BlockSpec((G, 1), lambda: (0, 0)),
        out_shape=jax.ShapeDtypeStruct((G, 1), jnp.float32),
    )(x12, lin1_W, lin1_b, lin3_W, lin3_b)


def kernel(x, edge_index, batch, emb, W_l, b_l, W_r, w1, w2, lin1_W, lin1_b,
           lin3_W, lin3_b):
    xpad = jnp.pad(x[:, 0], (0, NPAD - N))
    h = _sc_gather(emb, xpad)
    src = edge_index[0]
    dst = edge_index[1]
    zrows = jnp.zeros((NPAD // 16, D), jnp.float32)
    ones_f = jnp.ones((ECH, D), jnp.float32)
    aggp, cntp = _sc_edges(h, src, dst, zrows, ones_f)

    segrow = jnp.pad(batch, (0, NPAD - N),
                     constant_values=SENT_ROW).reshape(NPAD, 1)
    hs, s1, p2, counts = _tc_dense(h, aggp[0], aggp[1], cntp[0], cntp[1],
                                   segrow, W_l, b_l.reshape(1, D), W_r,
                                   w1.reshape(1, D), w2.reshape(1, D))
    segcol = jnp.pad(segrow.reshape(1, NPAD), ((0, 0), (PADC, PADC)),
                     constant_values=SENT_COL)
    s1col = jnp.pad(s1.reshape(1, NPAD), ((0, 0), (PADC, PADC)))
    m1, v1 = _tc_rank1(s1, segrow, s1col, segcol, counts)
    v1col = jnp.pad(v1.reshape(1, NPAD), ((0, 0), (PADC, PADC)))
    m1col = jnp.pad(m1.reshape(1, NPAD), ((0, 0), (PADC, PADC)))
    p2col = jnp.pad(p2.reshape(1, NPAD), ((0, 0), (PADC, PADC)))
    m2, v2 = _tc_rank2(v1, m1, p2, segrow, v1col, m1col, p2col, segcol,
                       counts)
    x12 = _tc_readout(counts, hs, v1, m1, v2, m2).reshape(G, 2 * D)
    out = _tc_mlp(x12, lin1_W, lin1_b.reshape(1, G), lin3_W,
                  lin3_b.reshape(1, 1))
    return out.reshape(G)

# --- scband reference (transcript-rebuilt; emitter-appended) ---
"""Pipeline reference for scband-net-29643864277323 (READ-ONLY COPY).

The authoritative reference and input builder live on the scoring server;
editing this copy changes nothing except your own understanding.
"""

import math
import jax
import jax.numpy as jnp
import numpy as np

N_NODES = 10000
N_EDGES = 320000
NUM_GRAPHS = 64
VOCAB = 20215
D = 128


def setup_inputs(seed: int = 0):
    key = jax.random.key(seed)
    ks = jax.random.split(key, 12)
    x = jax.random.randint(ks[0], (N_NODES, 1), 0, VOCAB, dtype=jnp.int32)
    edge_index = jax.random.randint(ks[1], (2, N_EDGES), 0, N_NODES, dtype=jnp.int32)
    batch = jnp.sort(jax.random.randint(ks[2], (N_NODES,), 0, NUM_GRAPHS, dtype=jnp.int32))
    emb = jax.random.normal(ks[3], (VOCAB, D), dtype=jnp.float32) * 0.1
    W_l = jax.random.normal(ks[4], (D, D), dtype=jnp.float32) * 0.05
    b_l = jnp.zeros((D,), dtype=jnp.float32)
    W_r = jax.random.normal(ks[5], (D, D), dtype=jnp.float32) * 0.05
    w1 = jax.random.normal(ks[6], (D,), dtype=jnp.float32) * 0.1
    w2 = jax.random.normal(ks[7], (D,), dtype=jnp.float32) * 0.1
    lin1_W = jax.random.normal(ks[8], (64, 256), dtype=jnp.float32) * 0.05
    lin1_b = jnp.zeros((64,), dtype=jnp.float32)
    lin3_W = jax.random.normal(ks[9], (1, 64), dtype=jnp.float32) * 0.05
    lin3_b = jnp.zeros((1,), dtype=jnp.float32)
    return dict(x=x, edge_index=edge_index, batch=batch, emb=emb, W_l=W_l, b_l=b_l,
                W_r=W_r, w1=w1, w2=w2, lin1_W=lin1_W, lin1_b=lin1_b, lin3_W=lin3_W, lin3_b=lin3_b)


def _sage(h, src, dst, W_l, b_l, W_r):
    # SAGEConv with mean aggregation: lin_l(mean_agg) + lin_r(x)
    agg = jax.ops.segment_sum(h[src], dst, num_segments=h.shape[0])
    cnt = jax.ops.segment_sum(jnp.ones((src.shape[0],), jnp.float32), dst, num_segments=h.shape[0])
    agg = agg / jnp.clip(cnt, 1.0)[:, None]
    return agg @ W_l.T + b_l + h @ W_r.T


def _topk_mask(score, seg, starts, k_per_seg):
    # TopKPooling selection over contiguous per-graph segments: stable sort by
    # (segment, descending score) so ties keep the lower index first, exactly
    # like jax.lax.top_k; row i is kept iff its in-segment rank < k of its segment.
    order = jnp.lexsort((-score, seg))
    pos = jnp.arange(seg.shape[0], dtype=starts.dtype) - starts[seg]
    mask = pos < k_per_seg[seg]
    return order, mask


def _readout(h, mask, seg, k_per_seg, num_segments):
    # cat([global_max_pool, global_mean_pool], dim=1) over masked per-graph rows
    neg = jnp.float32(-jnp.inf)
    maxs = jax.ops.segment_max(jnp.where(mask[:, None], h, neg), seg, num_segments=num_segments)
    sums = jax.ops.segment_sum(jnp.where(mask[:, None], h, 0.0), seg, num_segments=num_segments)
    means = sums / k_per_seg[:, None].astype(h.dtype)
    return jnp.concatenate([maxs, means], axis=1)


def reference(x, edge_index, batch, emb, W_l, b_l, W_r, w1, w2, lin1_W, lin1_b, lin3_W, lin3_b):
    num_graphs = NUM_GRAPHS
    counts = jax.ops.segment_sum(jnp.ones_like(batch), batch, num_segments=num_graphs)
    starts = jnp.concatenate([jnp.zeros((1,), counts.dtype), jnp.cumsum(counts)[:-1]])
    src = edge_index[0]
    dst = edge_index[1]
    h = emb[x[:, 0]]  # embedding lookup + squeeze(1)
    h = jax.nn.relu(_sage(h, src, dst, W_l, b_l, W_r))
    # first TopKPooling: score = tanh(x @ w / ||w||); keep top ceil(0.8*n) per graph
    score1 = jnp.tanh(h @ w1 / jnp.linalg.norm(w1))
    k1 = jnp.maximum((4 * counts + 4) // 5, 1)  # == max(ceil(0.8*n), 1) exactly
    order1, mask1 = _topk_mask(score1, batch, starts, k1)
    seg = batch[order1]  # equals batch: primary key preserves the sorted segments
    vals1 = jnp.where(mask1, score1[order1], 0.0)
    h1 = h[order1] * vals1[:, None]
    x1 = _readout(h1, mask1, seg, k1, num_graphs)
    # second TopKPooling over the kept rows of each graph
    score2 = jnp.tanh(h1 @ w2 / jnp.linalg.norm(w2))
    score2m = jnp.where(mask1, score2, jnp.float32(-jnp.inf))
    k2 = jnp.maximum((4 * k1 + 4) // 5, 1)
    order2, mask2 = _topk_mask(score2m, seg, starts, k2)
    vals2 = jnp.where(mask2, score2m[order2], 0.0)
    h2 = h1[order2] * vals2[:, None]
    x2 = _readout(h2, mask2, seg, k2, num_graphs)
    out = x1 + x2
    out = jax.nn.relu(out @ lin1_W.T + lin1_b)
    # dropout is identity in eval mode
    out = jax.nn.sigmoid(out @ lin3_W.T + lin3_b)[:, 0]
    return out

if __name__ == "__main__":
    import jax
    _d = setup_inputs()
    print(jax.jit(kernel)(*tuple(_d.values())))

</pallas_src>

<mosaic_0001>
#map = affine_map<(d0, d1) -> (0, 0)>
#map1 = affine_map<(d0, d1) -> (0)>
module attributes {stable_mosaic.version = 14 : i64} {
  func.func @k(%arg0: i32, %arg1: i32, %arg2: memref<20215x128xf32, #tpu.memory_space<hbm>>, %arg3: memref<10240xi32, #tpu.memory_space<hbm>>, %arg4: memref<10240x128xf32, #tpu.memory_space<hbm>>, %arg5: memref<80xi32, #tpu.memory_space<vmem>>, %arg6: memref<80x128xf32, #tpu.memory_space<vmem>>, %arg7: memref<!tpu.dma_semaphore, #tpu.memory_space<semaphore_mem>>) attributes {dimension_semantics = [#tpu.dimension_semantics<core_parallel>, #tpu.dimension_semantics<subcore_parallel>], iteration_bounds = array<i64: 2, 16>, scalar_prefetch = 0 : i64, scratch_operands = 3 : i64, tpu.core_type = #tpu.core_type<sc_vector_subcore>, window_params = [{transform_indices = #map}, {transform_indices = #map1}, {transform_indices = #map}]} {
    %mul3A = arith.constant 2 : i32
    %mul3A_0 = arith.muli %arg1, %mul3A : i32
    %add3A = arith.addi %mul3A_0, %arg0 : i32
    %mul3A_1 = arith.constant 320 : i32
    %mul3A_2 = arith.muli %add3A, %mul3A_1 : i32
    %add3A_3 = arith.constant 0 : i32
    %add3A_4 = arith.addi %mul3A_2, %add3A_3 : i32
    "tpu.region"() ({
      %run_scoped3A = tpu.sem_alloc : memref<!tpu.dma_semaphore, #tpu.memory_space<semaphore_mem>>
      %dma_start3A_33 = tpu.memref_slice %arg3[%add3A_4] : memref<10240xi32, #tpu.memory_space<hbm>> -> memref<80xi32, #tpu.memory_space<hbm>>
      %dma_start3A_34 = tpu.memref_slice %arg3[%add3A_4] : memref<10240xi32, #tpu.memory_space<hbm>> -> memref<80xi32, #tpu.memory_space<hbm>>
      tpu.enqueue_dma source(%dma_start3A_34 : memref<80xi32, #tpu.memory_space<hbm>>) target(%arg5 : memref<80xi32, #tpu.memory_space<vmem>>) target_semaphore(%run_scoped3A : memref<!tpu.dma_semaphore, #tpu.memory_space<semaphore_mem>>)
      %dma_wait3A_35 = tpu.memref_slice %arg3[%add3A_4] : memref<10240xi32, #tpu.memory_space<hbm>> -> memref<80xi32, #tpu.memory_space<hbm>>
      %dma_wait3A_36 = tpu.memref_slice %arg3[%add3A_4] : memref<10240xi32, #tpu.memory_space<hbm>> -> memref<80xi32, #tpu.memory_space<hbm>>
      tpu.wait_dma2 semaphore(%run_scoped3A : memref<!tpu.dma_semaphore, #tpu.memory_space<semaphore_mem>>) src(%dma_wait3A_36 : memref<80xi32, #tpu.memory_space<hbm>>) dst(%arg5 : memref<80xi32, #tpu.memory_space<vmem>>)
      tpu.yield
    }) : () -> ()
    %dma_start3A = arith.constant 0 : i32
    %dma_start3A_5 = arith.constant 0 : i32
    %dma_start3A_6 = tpu.memref_slice %arg2[%dma_start3A, %dma_start3A_5] : memref<20215x128xf32, #tpu.memory_space<hbm>> -> memref<20215x128xf32, #tpu.memory_space<hbm>>
    tpu.enqueue_indirect_dma source(%dma_start3A_6 : memref<20215x128xf32, #tpu.memory_space<hbm>>) target(%arg6 : memref<80x128xf32, #tpu.memory_space<vmem>>) offsets(%arg5 : memref<80xi32, #tpu.memory_space<vmem>>) semaphore(%arg7 : memref<!tpu.dma_semaphore, #tpu.memory_space<semaphore_mem>>)
    %dma_wait3A = arith.constant 0 : i32
    %dma_wait3A_7 = arith.constant 0 : i32
    %dma_wait3A_8 = tpu.memref_slice %arg2[%dma_wait3A, %dma_wait3A_7] : memref<20215x128xf32, #tpu.memory_space<hbm>> -> memref<20215x128xf32, #tpu.memory_space<hbm>>
    tpu.wait_indirect_dma semaphore(%arg7 : memref<!tpu.dma_semaphore, #tpu.memory_space<semaphore_mem>>) src(%dma_wait3A_8 : memref<20215x128xf32, #tpu.memory_space<hbm>>) dst(%arg6 : memref<80x128xf32, #tpu.memory_space<vmem>>)
    "tpu.region"() ({
      %run_scoped3A = tpu.sem_alloc : memref<!tpu.dma_semaphore, #tpu.memory_space<semaphore_mem>>
      %dma_start3A_33 = arith.constant 0 : i32
      %dma_start3A_34 = tpu.memref_slice %arg4[%add3A_4, %dma_start3A_33] : memref<10240x128xf32, #tpu.memory_space<hbm>> -> memref<80x128xf32, #tpu.memory_space<hbm>>
      %dma_start3A_35 = arith.constant 0 : i32
      %dma_start3A_36 = tpu.memref_slice %arg4[%add3A_4, %dma_start3A_35] : memref<10240x128xf32, #tpu.memory_space<hbm>> -> memref<80x128xf32, #tpu.memory_space<hbm>>
      tpu.enqueue_dma source(%arg6 : memref<80x128xf32, #tpu.memory_space<vmem>>) target(%dma_start3A_36 : memref<80x128xf32, #tpu.memory_space<hbm>>) target_semaphore(%run_scoped3A : memref<!tpu.dma_semaphore, #tpu.memory_space<semaphore_mem>>)
      %dma_wait3A_37 = arith.constant 0 : i32
      %dma_wait3A_38 = tpu.memref_slice %arg4[%add3A_4, %dma_wait3A_37] : memref<10240x128xf32, #tpu.memory_space<hbm>> -> memref<80x128xf32, #tpu.memory_space<hbm>>
      %dma_wait3A_39 = arith.constant 0 : i32
      %dma_wait3A_40 = tpu.memref_slice %arg4[%add3A_4, %dma_wait3A_39] : memref<10240x128xf32, #tpu.memory_space<hbm>> -> memref<80x128xf32, #tpu.memory_space<hbm>>
      tpu.wait_dma2 semaphore(%run_scoped3A : memref<!tpu.dma_semaphore, #tpu.memory_space<semaphore_mem>>) src(%arg6 : memref<80x128xf32, #tpu.memory_space<vmem>>) dst(%dma_wait3A_40 : memref<80x128xf32, #tpu.memory_space<hbm>>)
      tpu.yield
    }) : () -> ()
    %add3A_9 = arith.constant 80 : i32
    %add3A_10 = arith.addi %mul3A_2, %add3A_9 : i32
    "tpu.region"() ({
      %run_scoped3A = tpu.sem_alloc : memref<!tpu.dma_semaphore, #tpu.memory_space<semaphore_mem>>
      %dma_start3A_33 = tpu.memref_slice %arg3[%add3A_10] : memref<10240xi32, #tpu.memory_space<hbm>> -> memref<80xi32, #tpu.memory_space<hbm>>
      %dma_start3A_34 = tpu.memref_slice %arg3[%add3A_10] : memref<10240xi32, #tpu.memory_space<hbm>> -> memref<80xi32, #tpu.memory_space<hbm>>
      tpu.enqueue_dma source(%dma_start3A_34 : memref<80xi32, #tpu.memory_space<hbm>>) target(%arg5 : memref<80xi32, #tpu.memory_space<vmem>>) target_semaphore(%run_scoped3A : memref<!tpu.dma_semaphore, #tpu.memory_space<semaphore_mem>>)
      %dma_wait3A_35 = tpu.memref_slice %arg3[%add3A_10] : memref<10240xi32, #tpu.memory_space<hbm>> -> memref<80xi32, #tpu.memory_space<hbm>>
      %dma_wait3A_36 = tpu.memref_slice %arg3[%add3A_10] : memref<10240xi32, #tpu.memory_space<hbm>> -> memref<80xi32, #tpu.memory_space<hbm>>
      tpu.wait_dma2 semaphore(%run_scoped3A : memref<!tpu.dma_semaphore, #tpu.memory_space<semaphore_mem>>) src(%dma_wait3A_36 : memref<80xi32, #tpu.memory_space<hbm>>) dst(%arg5 : memref<80xi32, #tpu.memory_space<vmem>>)
      tpu.yield
    }) : () -> ()
    %dma_start3A_11 = arith.constant 0 : i32
    %dma_start3A_12 = arith.constant 0 : i32
    %dma_start3A_13 = tpu.memref_slice %arg2[%dma_start3A_11, %dma_start3A_12] : memref<20215x128xf32, #tpu.memory_space<hbm>> -> memref<20215x128xf32, #tpu.memory_space<hbm>>
    tpu.enqueue_indirect_dma source(%dma_start3A_13 : memref<20215x128xf32, #tpu.memory_space<hbm>>) target(%arg6 : memref<80x128xf32, #tpu.memory_space<vmem>>) offsets(%arg5 : memref<80xi32, #tpu.memory_space<vmem>>) semaphore(%arg7 : memref<!tpu.dma_semaphore, #tpu.memory_space<semaphore_mem>>)
    %dma_wait3A_14 = arith.constant 0 : i32
    %dma_wait3A_15 = arith.constant 0 : i32
    %dma_wait3A_16 = tpu.memref_slice %arg2[%dma_wait3A_14, %dma_wait3A_15] : memref<20215x128xf32, #tpu.memory_space<hbm>> -> memref<20215x128xf32, #tpu.memory_space<hbm>>
    tpu.wait_indirect_dma semaphore(%arg7 : memref<!tpu.dma_semaphore, #tpu.memory_space<semaphore_mem>>) src(%dma_wait3A_16 : memref<20215x128xf32, #tpu.memory_space<hbm>>) dst(%arg6 : memref<80x128xf32, #tpu.memory_space<vmem>>)
    "tpu.region"() ({
      %run_scoped3A = tpu.sem_alloc : memref<!tpu.dma_semaphore, #tpu.memory_space<semaphore_mem>>
      %dma_start3A_33 = arith.constant 0 : i32
      %dma_start3A_34 = tpu.memref_slice %arg4[%add3A_10, %dma_start3A_33] : memref<10240x128xf32, #tpu.memory_space<hbm>> -> memref<80x128xf32, #tpu.memory_space<hbm>>
      %dma_start3A_35 = arith.constant 0 : i32
      %dma_start3A_36 = tpu.memref_slice %arg4[%add3A_10, %dma_start3A_35] : memref<10240x128xf32, #tpu.memory_space<hbm>> -> memref<80x128xf32, #tpu.memory_space<hbm>>
      tpu.enqueue_dma source(%arg6 : memref<80x128xf32, #tpu.memory_space<vmem>>) target(%dma_start3A_36 : memref<80x128xf32, #tpu.memory_space<hbm>>) target_semaphore(%run_scoped3A : memref<!tpu.dma_semaphore, #tpu.memory_space<semaphore_mem>>)
      %dma_wait3A_37 = arith.constant 0 : i32
      %dma_wait3A_38 = tpu.memref_slice %arg4[%add3A_10, %dma_wait3A_37] : memref<10240x128xf32, #tpu.memory_space<hbm>> -> memref<80x128xf32, #tpu.memory_space<hbm>>
      %dma_wait3A_39 = arith.constant 0 : i32
      %dma_wait3A_40 = tpu.memref_slice %arg4[%add3A_10, %dma_wait3A_39] : memref<10240x128xf32, #tpu.memory_space<hbm>> -> memref<80x128xf32, #tpu.memory_space<hbm>>
      tpu.wait_dma2 semaphore(%run_scoped3A : memref<!tpu.dma_semaphore, #tpu.memory_space<semaphore_mem>>) src(%arg6 : memref<80x128xf32, #tpu.memory_space<vmem>>) dst(%dma_wait3A_40 : memref<80x128xf32, #tpu.memory_space<hbm>>)
      tpu.yield
    }) : () -> ()
    %add3A_17 = arith.constant 160 : i32
    %add3A_18 = arith.addi %mul3A_2, %add3A_17 : i32
    "tpu.region"() ({
      %run_scoped3A = tpu.sem_alloc : memref<!tpu.dma_semaphore, #tpu.memory_space<semaphore_mem>>
      %dma_start3A_33 = tpu.memref_slice %arg3[%add3A_18] : memref<10240xi32, #tpu.memory_space<hbm>> -> memref<80xi32, #tpu.memory_space<hbm>>
      %dma_start3A_34 = tpu.memref_slice %arg3[%add3A_18] : memref<10240xi32, #tpu.memory_space<hbm>> -> memref<80xi32, #tpu.memory_space<hbm>>
      tpu.enqueue_dma source(%dma_start3A_34 : memref<80xi32, #tpu.memory_space<hbm>>) target(%arg5 : memref<80xi32, #tpu.memory_space<vmem>>) target_semaphore(%run_scoped3A : memref<!tpu.dma_semaphore, #tpu.memory_space<semaphore_mem>>)
      %dma_wait3A_35 = tpu.memref_slice %arg3[%add3A_18] : memref<10240xi32, #tpu.memory_space<hbm>> -> memref<80xi32, #tpu.memory_space<hbm>>
      %dma_wait3A_36 = tpu.memref_slice %arg3[%add3A_18] : memref<10240xi32, #tpu.memory_space<hbm>> -> memref<80xi32, #tpu.memory_space<hbm>>
      tpu.wait_dma2 semaphore(%run_scoped3A : memref<!tpu.dma_semaphore, #tpu.memory_space<semaphore_mem>>) src(%dma_wait3A_36 : memref<80xi32, #tpu.memory_space<hbm>>) dst(%arg5 : memref<80xi32, #tpu.memory_space<vmem>>)
      tpu.yield
    }) : () -> ()
    %dma_start3A_19 = arith.constant 0 : i32
    %dma_start3A_20 = arith.constant 0 : i32
    %dma_start3A_21 = tpu.memref_slice %arg2[%dma_start3A_19, %dma_start3A_20] : memref<20215x128xf32, #tpu.memory_space<hbm>> -> memref<20215x128xf32, #tpu.memory_space<hbm>>
    tpu.enqueue_indirect_dma source(%dma_start3A_21 : memref<20215x128xf32, #tpu.memory_space<hbm>>) target(%arg6 : memref<80x128xf32, #tpu.memory_space<vmem>>) offsets(%arg5 : memref<80xi32, #tpu.memory_space<vmem>>) semaphore(%arg7 : memref<!tpu.dma_semaphore, #tpu.memory_space<semaphore_mem>>)
    %dma_wait3A_22 = arith.constant 0 : i32
    %dma_wait3A_23 = arith.constant 0 : i32
    %dma_wait3A_24 = tpu.memref_slice %arg2[%dma_wait3A_22, %dma_wait3A_23] : memref<20215x128xf32, #tpu.memory_space<hbm>> -> memref<20215x128xf32, #tpu.memory_space<hbm>>
    tpu.wait_indirect_dma semaphore(%arg7 : memref<!tpu.dma_semaphore, #tpu.memory_space<semaphore_mem>>) src(%dma_wait3A_24 : memref<20215x128xf32, #tpu.memory_space<hbm>>) dst(%arg6 : memref<80x128xf32, #tpu.memory_space<vmem>>)
    "tpu.region"() ({
      %run_scoped3A = tpu.sem_alloc : memref<!tpu.dma_semaphore, #tpu.memory_space<semaphore_mem>>
      %dma_start3A_33 = arith.constant 0 : i32
      %dma_start3A_34 = tpu.memref_slice %arg4[%add3A_18, %dma_start3A_33] : memref<10240x128xf32, #tpu.memory_space<hbm>> -> memref<80x128xf32, #tpu.memory_space<hbm>>
      %dma_start3A_35 = arith.constant 0 : i32
      %dma_start3A_36 = tpu.memref_slice %arg4[%add3A_18, %dma_start3A_35] : memref<10240x128xf32, #tpu.memory_space<hbm>> -> memref<80x128xf32, #tpu.memory_space<hbm>>
      tpu.enqueue_dma source(%arg6 : memref<80x128xf32, #tpu.memory_space<vmem>>) target(%dma_start3A_36 : memref<80x128xf32, #tpu.memory_space<hbm>>) target_semaphore(%run_scoped3A : memref<!tpu.dma_semaphore, #tpu.memory_space<semaphore_mem>>)
      %dma_wait3A_37 = arith.constant 0 : i32
      %dma_wait3A_38 = tpu.memref_slice %arg4[%add3A_18, %dma_wait3A_37] : memref<10240x128xf32, #tpu.memory_space<hbm>> -> memref<80x128xf32, #tpu.memory_space<hbm>>
      %dma_wait3A_39 = arith.constant 0 : i32
      %dma_wait3A_40 = tpu.memref_slice %arg4[%add3A_18, %dma_wait3A_39] : memref<10240x128xf32, #tpu.memory_space<hbm>> -> memref<80x128xf32, #tpu.memory_space<hbm>>
      tpu.wait_dma2 semaphore(%run_scoped3A : memref<!tpu.dma_semaphore, #tpu.memory_space<semaphore_mem>>) src(%arg6 : memref<80x128xf32, #tpu.memory_space<vmem>>) dst(%dma_wait3A_40 : memref<80x128xf32, #tpu.memory_space<hbm>>)
      tpu.yield
    }) : () -> ()
    %add3A_25 = arith.constant 240 : i32
    %add3A_26 = arith.addi %mul3A_2, %add3A_25 : i32
    "tpu.region"() ({
      %run_scoped3A = tpu.sem_alloc : memref<!tpu.dma_semaphore, #tpu.memory_space<semaphore_mem>>
      %dma_start3A_33 = tpu.memref_slice %arg3[%add3A_26] : memref<10240xi32, #tpu.memory_space<hbm>> -> memref<80xi32, #tpu.memory_space<hbm>>
      %dma_start3A_34 = tpu.memref_slice %arg3[%add3A_26] : memref<10240xi32, #tpu.memory_space<hbm>> -> memref<80xi32, #tpu.memory_space<hbm>>
      tpu.enqueue_dma source(%dma_start3A_34 : memref<80xi32, #tpu.memory_space<hbm>>) target(%arg5 : memref<80xi32, #tpu.memory_space<vmem>>) target_semaphore(%run_scoped3A : memref<!tpu.dma_semaphore, #tpu.memory_space<semaphore_mem>>)
      %dma_wait3A_35 = tpu.memref_slice %arg3[%add3A_26] : memref<10240xi32, #tpu.memory_space<hbm>> -> memref<80xi32, #tpu.memory_space<hbm>>
      %dma_wait3A_36 = tpu.memref_slice %arg3[%add3A_26] : memref<10240xi32, #tpu.memory_space<hbm>> -> memref<80xi32, #tpu.memory_space<hbm>>
      tpu.wait_dma2 semaphore(%run_scoped3A : memref<!tpu.dma_semaphore, #tpu.memory_space<semaphore_mem>>) src(%dma_wait3A_36 : memref<80xi32, #tpu.memory_space<hbm>>) dst(%arg5 : memref<80xi32, #tpu.memory_space<vmem>>)
      tpu.yield
    }) : () -> ()
    %dma_start3A_27 = arith.constant 0 : i32
    %dma_start3A_28 = arith.constant 0 : i32
    %dma_start3A_29 = tpu.memref_slice %arg2[%dma_start3A_27, %dma_start3A_28] : memref<20215x128xf32, #tpu.memory_space<hbm>> -> memref<20215x128xf32, #tpu.memory_space<hbm>>
    tpu.enqueue_indirect_dma source(%dma_start3A_29 : memref<20215x128xf32, #tpu.memory_space<hbm>>) target(%arg6 : memref<80x128xf32, #tpu.memory_space<vmem>>) offsets(%arg5 : memref<80xi32, #tpu.memory_space<vmem>>) semaphore(%arg7 : memref<!tpu.dma_semaphore, #tpu.memory_space<semaphore_mem>>)
    %dma_wait3A_30 = arith.constant 0 : i32
    %dma_wait3A_31 = arith.constant 0 : i32
    %dma_wait3A_32 = tpu.memref_slice %arg2[%dma_wait3A_30, %dma_wait3A_31] : memref<20215x128xf32, #tpu.memory_space<hbm>> -> memref<20215x128xf32, #tpu.memory_space<hbm>>
    tpu.wait_indirect_dma semaphore(%arg7 : memref<!tpu.dma_semaphore, #tpu.memory_space<semaphore_mem>>) src(%dma_wait3A_32 : memref<20215x128xf32, #tpu.memory_space<hbm>>) dst(%arg6 : memref<80x128xf32, #tpu.memory_space<vmem>>)
    "tpu.region"() ({
      %run_scoped3A = tpu.sem_alloc : memref<!tpu.dma_semaphore, #tpu.memory_space<semaphore_mem>>
      %dma_start3A_33 = arith.constant 0 : i32
      %dma_start3A_34 = tpu.memref_slice %arg4[%add3A_26, %dma_start3A_33] : memref<10240x128xf32, #tpu.memory_space<hbm>> -> memref<80x128xf32, #tpu.memory_space<hbm>>
      %dma_start3A_35 = arith.constant 0 : i32
      %dma_start3A_36 = tpu.memref_slice %arg4[%add3A_26, %dma_start3A_35] : memref<10240x128xf32, #tpu.memory_space<hbm>> -> memref<80x128xf32, #tpu.memory_space<hbm>>
      tpu.enqueue_dma source(%arg6 : memref<80x128xf32, #tpu.memory_space<vmem>>) target(%dma_start3A_36 : memref<80x128xf32, #tpu.memory_space<hbm>>) target_semaphore(%run_scoped3A : memref<!tpu.dma_semaphore, #tpu.memory_space<semaphore_mem>>)
      %dma_wait3A_37 = arith.constant 0 : i32
      %dma_wait3A_38 = tpu.memref_slice %arg4[%add3A_26, %dma_wait3A_37] : memref<10240x128xf32, #tpu.memory_space<hbm>> -> memref<80x128xf32, #tpu.memory_space<hbm>>
      %dma_wait3A_39 = arith.constant 0 : i32
      %dma_wait3A_40 = tpu.memref_slice %arg4[%add3A_26, %dma_wait3A_39] : memref<10240x128xf32, #tpu.memory_space<hbm>> -> memref<80x128xf32, #tpu.memory_space<hbm>>
      tpu.wait_dma2 semaphore(%run_scoped3A : memref<!tpu.dma_semaphore, #tpu.memory_space<semaphore_mem>>) src(%arg6 : memref<80x128xf32, #tpu.memory_space<vmem>>) dst(%dma_wait3A_40 : memref<80x128xf32, #tpu.memory_space<hbm>>)
      tpu.yield
    }) : () -> ()
    return
  }
}

#map = affine_map<(d0, d1) -> (0, 0)>
#map1 = affine_map<(d0, d1) -> (0)>
#map2 = affine_map<(d0, d1) -> (0, 0, 0)>
module attributes {stable_mosaic.version = 14 : i64} {
  func.func @k(%arg0: i32, %arg1: i32, %arg2: memref<10240x128xf32, #tpu.memory_space<hbm>>, %arg3: memref<320000xi32, #tpu.memory_space<hbm>>, %arg4: memref<320000xi32, #tpu.memory_space<hbm>>, %arg5: memref<640x128xf32, #tpu.memory_space<hbm>>, %arg6: memref<128x128xf32, #tpu.memory_space<hbm>>, %arg7: memref<2x10240x128xf32, #tpu.memory_space<hbm>>, %arg8: memref<2x10240x128xf32, #tpu.memory_space<hbm>>, %arg9: memref<128xi32, #tpu.memory_space<vmem>>, %arg10: memref<128xi32, #tpu.memory_space<vmem>>, %arg11: memref<128x128xf32, #tpu.memory_space<vmem>>, %arg12: memref<16xi32, #tpu.memory_space<vmem>>, %arg13: memref<16xi32, #tpu.memory_space<vmem>>, %arg14: memref<16x128xf32, #tpu.memory_space<vmem>>, %arg15: memref<10240x128xf32, #tpu.memory_space<vmem_shared>>, %arg16: memref<!tpu.dma_semaphore, #tpu.memory_space<semaphore_mem>>) attributes {dimension_semantics = [#tpu.dimension_semantics<core_parallel>, #tpu.dimension_semantics<subcore_parallel>], iteration_bounds = array<i64: 2, 16>, scalar_prefetch = 0 : i64, scratch_operands = 8 : i64, tpu.core_type = #tpu.core_type<sc_vector_subcore>, window_params = [{transform_indices = #map}, {transform_indices = #map1}, {transform_indices = #map1}, {transform_indices = #map}, {transform_indices = #map}, {transform_indices = #map2}, {transform_indices = #map2}]} {
    %mul3A = arith.constant 2 : i32
    %mul3A_0 = arith.muli %arg1, %mul3A : i32
    %add3A = arith.addi %mul3A_0, %arg0 : i32
    %mul3A_1 = arith.constant 10000 : i32
    %mul3A_2 = arith.muli %add3A, %mul3A_1 : i32
    %add3A_3 = arith.constant 9984 : i32
    %add3A_4 = arith.addi %mul3A_2, %add3A_3 : i32
    %mul3A_5 = arith.constant 640 : i32
    %mul3A_6 = arith.muli %arg1, %mul3A_5 : i32
    "tpu.region"() ({
      %run_scoped3A = tpu.sem_alloc : memref<!tpu.dma_semaphore, #tpu.memory_space<semaphore_mem>>
      %dma_start3A_36 = arith.constant 0 : i32
      %dma_start3A_37 = tpu.memref_slice %arg15[%mul3A_6, %dma_start3A_36] : memref<10240x128xf32, #tpu.memory_space<vmem_shared>> -> memref<640x128xf32, #tpu.memory_space<vmem_shared>>
      tpu.enqueue_dma source(%arg5 : memref<640x128xf32, #tpu.memory_space<hbm>>) target(%dma_start3A_37 : memref<640x128xf32, #tpu.memory_space<vmem_shared>>) target_semaphore(%run_scoped3A : memref<!tpu.dma_semaphore, #tpu.memory_space<semaphore_mem>>)
      %dma_wait3A_38 = arith.constant 0 : i32
      %dma_wait3A_39 = tpu.memref_slice %arg15[%mul3A_6, %dma_wait3A_38] : memref<10240x128xf32, #tpu.memory_space<vmem_shared>> -> memref<640x128xf32, #tpu.memory_space<vmem_shared>>
      tpu.wait_dma2 semaphore(%run_scoped3A : memref<!tpu.dma_semaphore, #tpu.memory_space<semaphore_mem>>) src(%arg5 : memref<640x128xf32, #tpu.memory_space<hbm>>) dst(%dma_wait3A_39 : memref<640x128xf32, #tpu.memory_space<vmem_shared>>)
      tpu.yield
    }) : () -> ()
    %barrier3A = arith.constant 0 : index
    tpu.barrier barrier_id(%barrier3A)
    %scan3A = arith.constant 0 : i32
    %scan3A_7 = arith.constant 0 : i32
    %scan3A_8 = arith.constant 78 : i32
    %scan3A_9 = arith.addi %scan3A_7, %scan3A_8 : i32
    %scan3A_10 = arith.constant 1 : i32
    scf.for %scan3A_36 = %scan3A_7 to %scan3A_9 step %scan3A_10  : i32 {
      %mul3A_37 = arith.constant 128 : i32
      %mul3A_38 = arith.muli %scan3A_36, %mul3A_37 : i32
      %add3A_39 = arith.addi %mul3A_2, %mul3A_38 : i32
      "tpu.region"() ({
        %run_scoped3A = tpu.sem_alloc : memref<!tpu.dma_semaphore, #tpu.memory_space<semaphore_mem>>
        %dma_start3A_46 = tpu.memref_slice %arg3[%add3A_39] : memref<320000xi32, #tpu.memory_space<hbm>> -> memref<128xi32, #tpu.memory_space<hbm>>
        %dma_start3A_47 = tpu.memref_slice %arg3[%add3A_39] : memref<320000xi32, #tpu.memory_space<hbm>> -> memref<128xi32, #tpu.memory_space<hbm>>
        tpu.enqueue_dma source(%dma_start3A_47 : memref<128xi32, #tpu.memory_space<hbm>>) target(%arg9 : memref<128xi32, #tpu.memory_space<vmem>>) target_semaphore(%run_scoped3A : memref<!tpu.dma_semaphore, #tpu.memory_space<semaphore_mem>>)
        %dma_wait3A_48 = tpu.memref_slice %arg3[%add3A_39] : memref<320000xi32, #tpu.memory_space<hbm>> -> memref<128xi32, #tpu.memory_space<hbm>>
        %dma_wait3A_49 = tpu.memref_slice %arg3[%add3A_39] : memref<320000xi32, #tpu.memory_space<hbm>> -> memref<128xi32, #tpu.memory_space<hbm>>
        tpu.wait_dma2 semaphore(%run_scoped3A : memref<!tpu.dma_semaphore, #tpu.memory_space<semaphore_mem>>) src(%dma_wait3A_49 : memref<128xi32, #tpu.memory_space<hbm>>) dst(%arg9 : memref<128xi32, #tpu.memory_space<vmem>>)
        tpu.yield
      }) : () -> ()
      "tpu.region"() ({
        %run_scoped3A = tpu.sem_alloc : memref<!tpu.dma_semaphore, #tpu.memory_space<semaphore_mem>>
        %dma_start3A_46 = tpu.memref_slice %arg4[%add3A_39] : memref<320000xi32, #tpu.memory_space<hbm>> -> memref<128xi32, #tpu.memory_space<hbm>>
        %dma_start3A_47 = tpu.memref_slice %arg4[%add3A_39] : memref<320000xi32, #tpu.memory_space<hbm>> -> memref<128xi32, #tpu.memory_space<hbm>>
        tpu.enqueue_dma source(%dma_start3A_47 : memref<128xi32, #tpu.memory_space<hbm>>) target(%arg10 : memref<128xi32, #tpu.memory_space<vmem>>) target_semaphore(%run_scoped3A : memref<!tpu.dma_semaphore, #tpu.memory_space<semaphore_mem>>)
        %dma_wait3A_48 = tpu.memref_slice %arg4[%add3A_39] : memref<320000xi32, #tpu.memory_space<hbm>> -> memref<128xi32, #tpu.memory_space<hbm>>
        %dma_wait3A_49 = tpu.memref_slice %arg4[%add3A_39] : memref<320000xi32, #tpu.memory_space<hbm>> -> memref<128xi32, #tpu.memory_space<hbm>>
        tpu.wait_dma2 semaphore(%run_scoped3A : memref<!tpu.dma_semaphore, #tpu.memory_space<semaphore_mem>>) src(%dma_wait3A_49 : memref<128xi32, #tpu.memory_space<hbm>>) dst(%arg10 : memref<128xi32, #tpu.memory_space<vmem>>)
        tpu.yield
      }) : () -> ()
      %dma_start3A_40 = arith.constant 0 : i32
      %dma_start3A_41 = arith.constant 0 : i32
      %dma_start3A_42 = tpu.memref_slice %arg2[%dma_start3A_40, %dma_start3A_41] : memref<10240x128xf32, #tpu.memory_space<hbm>> -> memref<10240x128xf32, #tpu.memory_space<hbm>>
      tpu.enqueue_indirect_dma source(%dma_start3A_42 : memref<10240x128xf32, #tpu.memory_space<hbm>>) target(%arg11 : memref<128x128xf32, #tpu.memory_space<vmem>>) offsets(%arg9 : memref<128xi32, #tpu.memory_space<vmem>>) semaphore(%arg16 : memref<!tpu.dma_semaphore, #tpu.memory_space<semaphore_mem>>)
      %dma_wait3A_43 = arith.constant 0 : i32
      %dma_wait3A_44 = arith.constant 0 : i32
      %dma_wait3A_45 = tpu.memref_slice %arg2[%dma_wait3A_43, %dma_wait3A_44] : memref<10240x128xf32, #tpu.memory_space<hbm>> -> memref<10240x128xf32, #tpu.memory_space<hbm>>
      tpu.wait_indirect_dma semaphore(%arg16 : memref<!tpu.dma_semaphore, #tpu.memory_space<semaphore_mem>>) src(%dma_wait3A_45 : memref<10240x128xf32, #tpu.memory_space<hbm>>) dst(%arg11 : memref<128x128xf32, #tpu.memory_space<vmem>>)
      "tpu.region"() ({
        %run_scoped3A = tpu.sem_alloc : memref<!tpu.dma_semaphore, #tpu.memory_space<semaphore_mem>>
        %dma_start3A_46 = arith.constant 0 : i32
        %dma_start3A_47 = arith.constant 0 : i32
        %dma_start3A_48 = tpu.memref_slice %arg15[%dma_start3A_46, %dma_start3A_47] : memref<10240x128xf32, #tpu.memory_space<vmem_shared>> -> memref<10240x128xf32, #tpu.memory_space<vmem_shared>>
        tpu.enqueue_indirect_dma source(%arg11 : memref<128x128xf32, #tpu.memory_space<vmem>>) target(%dma_start3A_48 : memref<10240x128xf32, #tpu.memory_space<vmem_shared>>) offsets(%arg10 : memref<128xi32, #tpu.memory_space<vmem>>) semaphore(%run_scoped3A : memref<!tpu.dma_semaphore, #tpu.memory_space<semaphore_mem>>) {add = true}
        %dma_wait3A_49 = arith.constant 0 : i32
        %dma_wait3A_50 = arith.constant 0 : i32
        %dma_wait3A_51 = tpu.memref_slice %arg15[%dma_wait3A_49, %dma_wait3A_50] : memref<10240x128xf32, #tpu.memory_space<vmem_shared>> -> memref<10240x128xf32, #tpu.memory_space<vmem_shared>>
        tpu.wait_indirect_dma semaphore(%run_scoped3A : memref<!tpu.dma_semaphore, #tpu.memory_space<semaphore_mem>>) src(%arg11 : memref<128x128xf32, #tpu.memory_space<vmem>>) dst(%dma_wait3A_51 : memref<10240x128xf32, #tpu.memory_space<vmem_shared>>)
        tpu.yield
      }) : () -> ()
    }
    %scan3A_11 = arith.constant 78 : i32
    "tpu.region"() ({
      %run_scoped3A = tpu.sem_alloc : memref<!tpu.dma_semaphore, #tpu.memory_space<semaphore_mem>>
      %dma_start3A_36 = tpu.memref_slice %arg3[%add3A_4] : memref<320000xi32, #tpu.memory_space<hbm>> -> memref<16xi32, #tpu.memory_space<hbm>>
      %dma_start3A_37 = tpu.memref_slice %arg3[%add3A_4] : memref<320000xi32, #tpu.memory_space<hbm>> -> memref<16xi32, #tpu.memory_space<hbm>>
      tpu.enqueue_dma source(%dma_start3A_37 : memref<16xi32, #tpu.memory_space<hbm>>) target(%arg12 : memref<16xi32, #tpu.memory_space<vmem>>) target_semaphore(%run_scoped3A : memref<!tpu.dma_semaphore, #tpu.memory_space<semaphore_mem>>)
      %dma_wait3A_38 = tpu.memref_slice %arg3[%add3A_4] : memref<320000xi32, #tpu.memory_space<hbm>> -> memref<16xi32, #tpu.memory_space<hbm>>
      %dma_wait3A_39 = tpu.memref_slice %arg3[%add3A_4] : memref<320000xi32, #tpu.memory_space<hbm>> -> memref<16xi32, #tpu.memory_space<hbm>>
      tpu.wait_dma2 semaphore(%run_scoped3A : memref<!tpu.dma_semaphore, #tpu.memory_space<semaphore_mem>>) src(%dma_wait3A_39 : memref<16xi32, #tpu.memory_space<hbm>>) dst(%arg12 : memref<16xi32, #tpu.memory_space<vmem>>)
      tpu.yield
    }) : () -> ()
    "tpu.region"() ({
      %run_scoped3A = tpu.sem_alloc : memref<!tpu.dma_semaphore, #tpu.memory_space<semaphore_mem>>
      %dma_start3A_36 = tpu.memref_slice %arg4[%add3A_4] : memref<320000xi32, #tpu.memory_space<hbm>> -> memref<16xi32, #tpu.memory_space<hbm>>
      %dma_start3A_37 = tpu.memref_slice %arg4[%add3A_4] : memref<320000xi32, #tpu.memory_space<hbm>> -> memref<16xi32, #tpu.memory_space<hbm>>
      tpu.enqueue_dma source(%dma_start3A_37 : memref<16xi32, #tpu.memory_space<hbm>>) target(%arg13 : memref<16xi32, #tpu.memory_space<vmem>>) target_semaphore(%run_scoped3A : memref<!tpu.dma_semaphore, #tpu.memory_space<semaphore_mem>>)
      %dma_wait3A_38 = tpu.memref_slice %arg4[%add3A_4] : memref<320000xi32, #tpu.memory_space<hbm>> -> memref<16xi32, #tpu.memory_space<hbm>>
      %dma_wait3A_39 = tpu.memref_slice %arg4[%add3A_4] : memref<320000xi32, #tpu.memory_space<hbm>> -> memref<16xi32, #tpu.memory_space<hbm>>
      tpu.wait_dma2 semaphore(%run_scoped3A : memref<!tpu.dma_semaphore, #tpu.memory_space<semaphore_mem>>) src(%dma_wait3A_39 : memref<16xi32, #tpu.memory_space<hbm>>) dst(%arg13 : memref<16xi32, #tpu.memory_space<vmem>>)
      tpu.yield
    }) : () -> ()
    %dma_start3A = arith.constant 0 : i32
    %dma_start3A_12 = arith.constant 0 : i32
    %dma_start3A_13 = tpu.memref_slice %arg2[%dma_start3A, %dma_start3A_12] : memref<10240x128xf32, #tpu.memory_space<hbm>> -> memref<10240x128xf32, #tpu.memory_space<hbm>>
    tpu.enqueue_indirect_dma source(%dma_start3A_13 : memref<10240x128xf32, #tpu.memory_space<hbm>>) target(%arg14 : memref<16x128xf32, #tpu.memory_space<vmem>>) offsets(%arg12 : memref<16xi32, #tpu.memory_space<vmem>>) semaphore(%arg16 : memref<!tpu.dma_semaphore, #tpu.memory_space<semaphore_mem>>)
    %dma_wait3A = arith.constant 0 : i32
    %dma_wait3A_14 = arith.constant 0 : i32
    %dma_wait3A_15 = tpu.memref_slice %arg2[%dma_wait3A, %dma_wait3A_14] : memref<10240x128xf32, #tpu.memory_space<hbm>> -> memref<10240x128xf32, #tpu.memory_space<hbm>>
    tpu.wait_indirect_dma semaphore(%arg16 : memref<!tpu.dma_semaphore, #tpu.memory_space<semaphore_mem>>) src(%dma_wait3A_15 : memref<10240x128xf32, #tpu.memory_space<hbm>>) dst(%arg14 : memref<16x128xf32, #tpu.memory_space<vmem>>)
    "tpu.region"() ({
      %run_scoped3A = tpu.sem_alloc : memref<!tpu.dma_semaphore, #tpu.memory_space<semaphore_mem>>
      %dma_start3A_36 = arith.constant 0 : i32
      %dma_start3A_37 = arith.constant 0 : i32
      %dma_start3A_38 = tpu.memref_slice %arg15[%dma_start3A_36, %dma_start3A_37] : memref<10240x128xf32, #tpu.memory_space<vmem_shared>> -> memref<10240x128xf32, #tpu.memory_space<vmem_shared>>
      tpu.enqueue_indirect_dma source(%arg14 : memref<16x128xf32, #tpu.memory_space<vmem>>) target(%dma_start3A_38 : memref<10240x128xf32, #tpu.memory_space<vmem_shared>>) offsets(%arg13 : memref<16xi32, #tpu.memory_space<vmem>>) semaphore(%run_scoped3A : memref<!tpu.dma_semaphore, #tpu.memory_space<semaphore_mem>>) {add = true}
      %dma_wait3A_39 = arith.constant 0 : i32
      %dma_wait3A_40 = arith.constant 0 : i32
      %dma_wait3A_41 = tpu.memref_slice %arg15[%dma_wait3A_39, %dma_wait3A_40] : memref<10240x128xf32, #tpu.memory_space<vmem_shared>> -> memref<10240x128xf32, #tpu.memory_space<vmem_shared>>
      tpu.wait_indirect_dma semaphore(%run_scoped3A : memref<!tpu.dma_semaphore, #tpu.memory_space<semaphore_mem>>) src(%arg14 : memref<16x128xf32, #tpu.memory_space<vmem>>) dst(%dma_wait3A_41 : memref<10240x128xf32, #tpu.memory_space<vmem_shared>>)
      tpu.yield
    }) : () -> ()
    %barrier3A_16 = arith.constant 0 : index
    tpu.barrier barrier_id(%barrier3A_16)
    %mul3A_17 = arith.constant 640 : i32
    %mul3A_18 = arith.muli %arg1, %mul3A_17 : i32
    %mul3A_19 = arith.constant 640 : i32
    %mul3A_20 = arith.muli %arg1, %mul3A_19 : i32
    "tpu.region"() ({
      %run_scoped3A = tpu.sem_alloc : memref<!tpu.dma_semaphore, #tpu.memory_space<semaphore_mem>>
      %dma_start3A_36 = arith.constant 0 : i32
      %dma_start3A_37 = tpu.memref_slice %arg7[%arg0, %mul3A_20, %dma_start3A_36] : memref<2x10240x128xf32, #tpu.memory_space<hbm>> -> memref<1x640x128xf32, #tpu.memory_space<hbm>>
      %dma_start3A_38 = tpu.memref_squeeze %dma_start3A_37 : memref<1x640x128xf32, #tpu.memory_space<hbm>> -> memref<640x128xf32, #tpu.memory_space<hbm>>
      %dma_start3A_39 = arith.constant 0 : i32
      %dma_start3A_40 = tpu.memref_slice %arg15[%mul3A_18, %dma_start3A_39] : memref<10240x128xf32, #tpu.memory_space<vmem_shared>> -> memref<640x128xf32, #tpu.memory_space<vmem_shared>>
      tpu.enqueue_dma source(%dma_start3A_40 : memref<640x128xf32, #tpu.memory_space<vmem_shared>>) target(%dma_start3A_38 : memref<640x128xf32, #tpu.memory_space<hbm>>) target_semaphore(%run_scoped3A : memref<!tpu.dma_semaphore, #tpu.memory_space<semaphore_mem>>)
      %dma_wait3A_41 = arith.constant 0 : i32
      %dma_wait3A_42 = tpu.memref_slice %arg7[%arg0, %mul3A_20, %dma_wait3A_41] : memref<2x10240x128xf32, #tpu.memory_space<hbm>> -> memref<1x640x128xf32, #tpu.memory_space<hbm>>
      %dma_wait3A_43 = tpu.memref_squeeze %dma_wait3A_42 : memref<1x640x128xf32, #tpu.memory_space<hbm>> -> memref<640x128xf32, #tpu.memory_space<hbm>>
      %dma_wait3A_44 = arith.constant 0 : i32
      %dma_wait3A_45 = tpu.memref_slice %arg15[%mul3A_18, %dma_wait3A_44] : memref<10240x128xf32, #tpu.memory_space<vmem_shared>> -> memref<640x128xf32, #tpu.memory_space<vmem_shared>>
      tpu.wait_dma2 semaphore(%run_scoped3A : memref<!tpu.dma_semaphore, #tpu.memory_space<semaphore_mem>>) src(%dma_wait3A_45 : memref<640x128xf32, #tpu.memory_space<vmem_shared>>) dst(%dma_wait3A_43 : memref<640x128xf32, #tpu.memory_space<hbm>>)
      tpu.yield
    }) : () -> ()
    %barrier3A_21 = arith.constant 0 : index
    tpu.barrier barrier_id(%barrier3A_21)
    %mul3A_22 = arith.constant 640 : i32
    %mul3A_23 = arith.muli %arg1, %mul3A_22 : i32
    "tpu.region"() ({
      %run_scoped3A = tpu.sem_alloc : memref<!tpu.dma_semaphore, #tpu.memory_space<semaphore_mem>>
      %dma_start3A_36 = arith.constant 0 : i32
      %dma_start3A_37 = tpu.memref_slice %arg15[%mul3A_23, %dma_start3A_36] : memref<10240x128xf32, #tpu.memory_space<vmem_shared>> -> memref<640x128xf32, #tpu.memory_space<vmem_shared>>
      tpu.enqueue_dma source(%arg5 : memref<640x128xf32, #tpu.memory_space<hbm>>) target(%dma_start3A_37 : memref<640x128xf32, #tpu.memory_space<vmem_shared>>) target_semaphore(%run_scoped3A : memref<!tpu.dma_semaphore, #tpu.memory_space<semaphore_mem>>)
      %dma_wait3A_38 = arith.constant 0 : i32
      %dma_wait3A_39 = tpu.memref_slice %arg15[%mul3A_23, %dma_wait3A_38] : memref<10240x128xf32, #tpu.memory_space<vmem_shared>> -> memref<640x128xf32, #tpu.memory_space<vmem_shared>>
      tpu.wait_dma2 semaphore(%run_scoped3A : memref<!tpu.dma_semaphore, #tpu.memory_space<semaphore_mem>>) src(%arg5 : memref<640x128xf32, #tpu.memory_space<hbm>>) dst(%dma_wait3A_39 : memref<640x128xf32, #tpu.memory_space<vmem_shared>>)
      tpu.yield
    }) : () -> ()
    "tpu.region"() ({
      %run_scoped3A = tpu.sem_alloc : memref<!tpu.dma_semaphore, #tpu.memory_space<semaphore_mem>>
      tpu.enqueue_dma source(%arg6 : memref<128x128xf32, #tpu.memory_space<hbm>>) target(%arg11 : memref<128x128xf32, #tpu.memory_space<vmem>>) target_semaphore(%run_scoped3A : memref<!tpu.dma_semaphore, #tpu.memory_space<semaphore_mem>>)
      tpu.wait_dma2 semaphore(%run_scoped3A : memref<!tpu.dma_semaphore, #tpu.memory_space<semaphore_mem>>) src(%arg6 : memref<128x128xf32, #tpu.memory_space<hbm>>) dst(%arg11 : memref<128x128xf32, #tpu.memory_space<vmem>>)
      tpu.yield
    }) : () -> ()
    %barrier3A_24 = arith.constant 0 : index
    tpu.barrier barrier_id(%barrier3A_24)
    %scan3A_25 = arith.constant 0 : i32
    %scan3A_26 = arith.constant 0 : i32
    %scan3A_27 = arith.constant 78 : i32
    %scan3A_28 = arith.addi %scan3A_26, %scan3A_27 : i32
    %scan3A_29 = arith.constant 1 : i32
    scf.for %scan3A_36 = %scan3A_26 to %scan3A_28 step %scan3A_29  : i32 {
      %mul3A_37 = arith.constant 128 : i32
      %mul3A_38 = arith.muli %scan3A_36, %mul3A_37 : i32
      %add3A_39 = arith.addi %mul3A_2, %mul3A_38 : i32
      "tpu.region"() ({
        %run_scoped3A = tpu.sem_alloc : memref<!tpu.dma_semaphore, #tpu.memory_space<semaphore_mem>>
        %dma_start3A_40 = tpu.memref_slice %arg4[%add3A_39] : memref<320000xi32, #tpu.memory_space<hbm>> -> memref<128xi32, #tpu.memory_space<hbm>>
        %dma_start3A_41 = tpu.memref_slice %arg4[%add3A_39] : memref<320000xi32, #tpu.memory_space<hbm>> -> memref<128xi32, #tpu.memory_space<hbm>>
        tpu.enqueue_dma source(%dma_start3A_41 : memref<128xi32, #tpu.memory_space<hbm>>) target(%arg10 : memref<128xi32, #tpu.memory_space<vmem>>) target_semaphore(%run_scoped3A : memref<!tpu.dma_semaphore, #tpu.memory_space<semaphore_mem>>)
        %dma_wait3A_42 = tpu.memref_slice %arg4[%add3A_39] : memref<320000xi32, #tpu.memory_space<hbm>> -> memref<128xi32, #tpu.memory_space<hbm>>
        %dma_wait3A_43 = tpu.memref_slice %arg4[%add3A_39] : memref<320000xi32, #tpu.memory_space<hbm>> -> memref<128xi32, #tpu.memory_space<hbm>>
        tpu.wait_dma2 semaphore(%run_scoped3A : memref<!tpu.dma_semaphore, #tpu.memory_space<semaphore_mem>>) src(%dma_wait3A_43 : memref<128xi32, #tpu.memory_space<hbm>>) dst(%arg10 : memref<128xi32, #tpu.memory_space<vmem>>)
        tpu.yield
      }) : () -> ()
      "tpu.region"() ({
        %run_scoped3A = tpu.sem_alloc : memref<!tpu.dma_semaphore, #tpu.memory_space<semaphore_mem>>
        %dma_start3A_40 = arith.constant 0 : i32
        %dma_start3A_41 = arith.constant 0 : i32
        %dma_start3A_42 = tpu.memref_slice %arg15[%dma_start3A_40, %dma_start3A_41] : memref<10240x128xf32, #tpu.memory_space<vmem_shared>> -> memref<10240x128xf32, #tpu.memory_space<vmem_shared>>
        tpu.enqueue_indirect_dma source(%arg11 : memref<128x128xf32, #tpu.memory_space<vmem>>) target(%dma_start3A_42 : memref<10240x128xf32, #tpu.memory_space<vmem_shared>>) offsets(%arg10 : memref<128xi32, #tpu.memory_space<vmem>>) semaphore(%run_scoped3A : memref<!tpu.dma_semaphore, #tpu.memory_space<semaphore_mem>>) {add = true}
        %dma_wait3A_43 = arith.constant 0 : i32
        %dma_wait3A_44 = arith.constant 0 : i32
        %dma_wait3A_45 = tpu.memref_slice %arg15[%dma_wait3A_43, %dma_wait3A_44] : memref<10240x128xf32, #tpu.memory_space<vmem_shared>> -> memref<10240x128xf32, #tpu.memory_space<vmem_shared>>
        tpu.wait_indirect_dma semaphore(%run_scoped3A : memref<!tpu.dma_semaphore, #tpu.memory_space<semaphore_mem>>) src(%arg11 : memref<128x128xf32, #tpu.memory_space<vmem>>) dst(%dma_wait3A_45 : memref<10240x128xf32, #tpu.memory_space<vmem_shared>>)
        tpu.yield
      }) : () -> ()
    }
    %scan3A_30 = arith.constant 78 : i32
    "tpu.region"() ({
      %run_scoped3A = tpu.sem_alloc : memref<!tpu.dma_semaphore, #tpu.memory_space<semaphore_mem>>
      %dma_start3A_36 = tpu.memref_slice %arg4[%add3A_4] : memref<320000xi32, #tpu.memory_space<hbm>> -> memref<16xi32, #tpu.memory_space<hbm>>
      %dma_start3A_37 = tpu.memref_slice %arg4[%add3A_4] : memref<320000xi32, #tpu.memory_space<hbm>> -> memref<16xi32, #tpu.memory_space<hbm>>
      tpu.enqueue_dma source(%dma_start3A_37 : memref<16xi32, #tpu.memory_space<hbm>>) target(%arg13 : memref<16xi32, #tpu.memory_space<vmem>>) target_semaphore(%run_scoped3A : memref<!tpu.dma_semaphore, #tpu.memory_space<semaphore_mem>>)
      %dma_wait3A_38 = tpu.memref_slice %arg4[%add3A_4] : memref<320000xi32, #tpu.memory_space<hbm>> -> memref<16xi32, #tpu.memory_space<hbm>>
      %dma_wait3A_39 = tpu.memref_slice %arg4[%add3A_4] : memref<320000xi32, #tpu.memory_space<hbm>> -> memref<16xi32, #tpu.memory_space<hbm>>
      tpu.wait_dma2 semaphore(%run_scoped3A : memref<!tpu.dma_semaphore, #tpu.memory_space<semaphore_mem>>) src(%dma_wait3A_39 : memref<16xi32, #tpu.memory_space<hbm>>) dst(%arg13 : memref<16xi32, #tpu.memory_space<vmem>>)
      tpu.yield
    }) : () -> ()
    "tpu.region"() ({
      %run_scoped3A = tpu.sem_alloc : memref<!tpu.dma_semaphore, #tpu.memory_space<semaphore_mem>>
      %dma_start3A_36 = arith.constant 0 : i32
      %dma_start3A_37 = arith.constant 0 : i32
      %dma_start3A_38 = tpu.memref_slice %arg11[%dma_start3A_36, %dma_start3A_37] : memref<128x128xf32, #tpu.memory_space<vmem>> -> memref<16x128xf32, #tpu.memory_space<vmem>>
      %dma_start3A_39 = arith.constant 0 : i32
      %dma_start3A_40 = arith.constant 0 : i32
      %dma_start3A_41 = tpu.memref_slice %arg15[%dma_start3A_39, %dma_start3A_40] : memref<10240x128xf32, #tpu.memory_space<vmem_shared>> -> memref<10240x128xf32, #tpu.memory_space<vmem_shared>>
      tpu.enqueue_indirect_dma source(%dma_start3A_38 : memref<16x128xf32, #tpu.memory_space<vmem>>) target(%dma_start3A_41 : memref<10240x128xf32, #tpu.memory_space<vmem_shared>>) offsets(%arg13 : memref<16xi32, #tpu.memory_space<vmem>>) semaphore(%run_scoped3A : memref<!tpu.dma_semaphore, #tpu.memory_space<semaphore_mem>>) {add = true}
      %dma_wait3A_42 = arith.constant 0 : i32
      %dma_wait3A_43 = arith.constant 0 : i32
      %dma_wait3A_44 = tpu.memref_slice %arg11[%dma_wait3A_42, %dma_wait3A_43] : memref<128x128xf32, #tpu.memory_space<vmem>> -> memref<16x128xf32, #tpu.memory_space<vmem>>
      %dma_wait3A_45 = arith.constant 0 : i32
      %dma_wait3A_46 = arith.constant 0 : i32
      %dma_wait3A_47 = tpu.memref_slice %arg15[%dma_wait3A_45, %dma_wait3A_46] : memref<10240x128xf32, #tpu.memory_space<vmem_shared>> -> memref<10240x128xf32, #tpu.memory_space<vmem_shared>>
      tpu.wait_indirect_dma semaphore(%run_scoped3A : memref<!tpu.dma_semaphore, #tpu.memory_space<semaphore_mem>>) src(%dma_wait3A_44 : memref<16x128xf32, #tpu.memory_space<vmem>>) dst(%dma_wait3A_47 : memref<10240x128xf32, #tpu.memory_space<vmem_shared>>)
      tpu.yield
    }) : () -> ()
    %barrier3A_31 = arith.constant 0 : index
    tpu.barrier barrier_id(%barrier3A_31)
    %mul3A_32 = arith.constant 640 : i32
    %mul3A_33 = arith.muli %arg1, %mul3A_32 : i32
    %mul3A_34 = arith.constant 640 : i32
    %mul3A_35 = arith.muli %arg1, %mul3A_34 : i32
    "tpu.region"() ({
      %run_scoped3A = tpu.sem_alloc : memref<!tpu.dma_semaphore, #tpu.memory_space<semaphore_mem>>
      %dma_start3A_36 = arith.constant 0 : i32
      %dma_start3A_37 = tpu.memref_slice %arg8[%arg0, %mul3A_35, %dma_start3A_36] : memref<2x10240x128xf32, #tpu.memory_space<hbm>> -> memref<1x640x128xf32, #tpu.memory_space<hbm>>
      %dma_start3A_38 = tpu.memref_squeeze %dma_start3A_37 : memref<1x640x128xf32, #tpu.memory_space<hbm>> -> memref<640x128xf32, #tpu.memory_space<hbm>>
      %dma_start3A_39 = arith.constant 0 : i32
      %dma_start3A_40 = tpu.memref_slice %arg15[%mul3A_33, %dma_start3A_39] : memref<10240x128xf32, #tpu.memory_space<vmem_shared>> -> memref<640x128xf32, #tpu.memory_space<vmem_shared>>
      tpu.enqueue_dma source(%dma_start3A_40 : memref<640x128xf32, #tpu.memory_space<vmem_shared>>) target(%dma_start3A_38 : memref<640x128xf32, #tpu.memory_space<hbm>>) target_semaphore(%run_scoped3A : memref<!tpu.dma_semaphore, #tpu.memory_space<semaphore_mem>>)
      %dma_wait3A_41 = arith.constant 0 : i32
      %dma_wait3A_42 = tpu.memref_slice %arg8[%arg0, %mul3A_35, %dma_wait3A_41] : memref<2x10240x128xf32, #tpu.memory_space<hbm>> -> memref<1x640x128xf32, #tpu.memory_space<hbm>>
      %dma_wait3A_43 = tpu.memref_squeeze %dma_wait3A_42 : memref<1x640x128xf32, #tpu.memory_space<hbm>> -> memref<640x128xf32, #tpu.memory_space<hbm>>
      %dma_wait3A_44 = arith.constant 0 : i32
      %dma_wait3A_45 = tpu.memref_slice %arg15[%mul3A_33, %dma_wait3A_44] : memref<10240x128xf32, #tpu.memory_space<vmem_shared>> -> memref<640x128xf32, #tpu.memory_space<vmem_shared>>
      tpu.wait_dma2 semaphore(%run_scoped3A : memref<!tpu.dma_semaphore, #tpu.memory_space<semaphore_mem>>) src(%dma_wait3A_45 : memref<640x128xf32, #tpu.memory_space<vmem_shared>>) dst(%dma_wait3A_43 : memref<640x128xf32, #tpu.memory_space<hbm>>)
      tpu.yield
    }) : () -> ()
    return
  }
}

module attributes {stable_mosaic.version = 14 : i64} {
  func.func @_dense_body(%arg0: i32, %arg1: memref<256x128xf32, #tpu.memory_space<vmem>>, %arg2: memref<256x128xf32, #tpu.memory_space<vmem>>, %arg3: memref<256x128xf32, #tpu.memory_space<vmem>>, %arg4: memref<256x128xf32, #tpu.memory_space<vmem>>, %arg5: memref<256x128xf32, #tpu.memory_space<vmem>>, %arg6: memref<256x1xi32, #tpu.memory_space<vmem>>, %arg7: memref<128x128xf32, #tpu.memory_space<vmem>>, %arg8: memref<1x128xf32, #tpu.memory_space<vmem>>, %arg9: memref<128x128xf32, #tpu.memory_space<vmem>>, %arg10: memref<1x128xf32, #tpu.memory_space<vmem>>, %arg11: memref<1x128xf32, #tpu.memory_space<vmem>>, %arg12: memref<256x128xf32, #tpu.memory_space<vmem>>, %arg13: memref<256x1xf32, #tpu.memory_space<vmem>>, %arg14: memref<256x1xf32, #tpu.memory_space<vmem>>, %arg15: memref<1x64xi32, #tpu.memory_space<vmem>>) attributes {dimension_semantics = [#tpu.dimension_semantics<arbitrary>], iteration_bounds = array<i64: 40>, scalar_prefetch = 0 : i64, scratch_operands = 0 : i64, tpu.core_type = #tpu.core_type<tc>, window_params = [{transform_indices = @transform_0, window_bounds = array<i64: 256, 128>}, {transform_indices = @transform_1, window_bounds = array<i64: 256, 128>}, {transform_indices = @transform_2, window_bounds = array<i64: 256, 128>}, {transform_indices = @transform_3, window_bounds = array<i64: 256, 128>}, {transform_indices = @transform_4, window_bounds = array<i64: 256, 128>}, {transform_indices = @transform_5, window_bounds = array<i64: 256, 1>}, {pipeline_mode = #tpu.pipeline_mode<synchronous>, transform_indices = @transform_6, window_bounds = array<i64: 128, 128>}, {pipeline_mode = #tpu.pipeline_mode<synchronous>, transform_indices = @transform_7, window_bounds = array<i64: 1, 128>}, {pipeline_mode = #tpu.pipeline_mode<synchronous>, transform_indices = @transform_8, window_bounds = array<i64: 128, 128>}, {pipeline_mode = #tpu.pipeline_mode<synchronous>, transform_indices = @transform_9, window_bounds = array<i64: 1, 128>}, {pipeline_mode = #tpu.pipeline_mode<synchronous>, transform_indices = @transform_10, window_bounds = array<i64: 1, 128>}, {transform_indices = @transform_11, window_bounds = array<i64: 256, 128>}, {transform_indices = @transform_12, window_bounds = array<i64: 256, 1>}, {transform_indices = @transform_13, window_bounds = array<i64: 256, 1>}, {pipeline_mode = #tpu.pipeline_mode<synchronous>, transform_indices = @transform_14, window_bounds = array<i64: 1, 64>}]} {
    %get3A = arith.constant 0 : index
    %get3A_0 = arith.constant 0 : index
    %get3A_1 = vector.load %arg4[%get3A, %get3A_0] : memref<256x128xf32, #tpu.memory_space<vmem>>, vector<256x1xf32>
    %get3A_2 = arith.constant 0 : index
    %get3A_3 = arith.constant 0 : index
    %get3A_4 = vector.load %arg5[%get3A_2, %get3A_3] : memref<256x128xf32, #tpu.memory_space<vmem>>, vector<256x1xf32>
    %add3A = arith.addf %get3A_1, %get3A_4 : vector<256x1xf32>
    %get3A_5 = arith.constant 0 : index
    %get3A_6 = arith.constant 0 : index
    %get3A_7 = vector.load %arg2[%get3A_5, %get3A_6] : memref<256x128xf32, #tpu.memory_space<vmem>>, vector<256x128xf32>
    %get3A_8 = arith.constant 0 : index
    %get3A_9 = arith.constant 0 : index
    %get3A_10 = vector.load %arg3[%get3A_8, %get3A_9] : memref<256x128xf32, #tpu.memory_space<vmem>>, vector<256x128xf32>
    %add3A_11 = arith.addf %get3A_7, %get3A_10 : vector<256x128xf32>
    %max3A = arith.constant 1.000000e+00 : f32
    %max3A_12 = vector.broadcast %max3A : f32 to vector<256x1xf32>
    %max3A_13 = arith.maximumf %add3A, %max3A_12 : vector<256x1xf32>
    %div3A = vector.broadcast %max3A_13 : vector<256x1xf32> to vector<256x128xf32>
    %div3A_14 = arith.divf %add3A_11, %div3A : vector<256x128xf32>
    %get3A_15 = arith.constant 0 : index
    %get3A_16 = arith.constant 0 : index
    %get3A_17 = vector.load %arg1[%get3A_15, %get3A_16] : memref<256x128xf32, #tpu.memory_space<vmem>>, vector<256x128xf32>
    %get3A_18 = arith.constant 0 : index
    %get3A_19 = arith.constant 0 : index
    %get3A_20 = vector.load %arg7[%get3A_18, %get3A_19] : memref<128x128xf32, #tpu.memory_space<vmem>>, vector<128x128xf32>
    %dot_general3A = arith.constant dense<0.000000e+00> : vector<256x128xf32>
    %dot_general3A_21 = tpu.matmul %div3A_14, %get3A_20, %dot_general3A {dimension_numbers = #tpu.dot_dimension_numbers<[1], [1], [0], [0], [0, 0, 1, 0], [], []>, transpose_lhs_hint = false} : vector<256x128xf32>, vector<128x128xf32>, vector<256x128xf32> -> vector<256x128xf32>
    %get3A_22 = arith.constant 0 : index
    %get3A_23 = arith.constant 0 : index
    %get3A_24 = vector.load %arg8[%get3A_22, %get3A_23] : memref<1x128xf32, #tpu.memory_space<vmem>>, vector<1x128xf32>
    %add3A_25 = vector.broadcast %get3A_24 : vector<1x128xf32> to vector<256x128xf32>
    %add3A_26 = arith.addf %dot_general3A_21, %add3A_25 : vector<256x128xf32>
    %get3A_27 = arith.constant 0 : index
    %get3A_28 = arith.constant 0 : index
    %get3A_29 = vector.load %arg9[%get3A_27, %get3A_28] : memref<128x128xf32, #tpu.memory_space<vmem>>, vector<128x128xf32>
    %dot_general3A_30 = arith.constant dense<0.000000e+00> : vector<256x128xf32>
    %dot_general3A_31 = tpu.matmul %get3A_17, %get3A_29, %dot_general3A_30 {dimension_numbers = #tpu.dot_dimension_numbers<[1], [1], [0], [0], [0, 0, 1, 0], [], []>, transpose_lhs_hint = false} : vector<256x128xf32>, vector<128x128xf32>, vector<256x128xf32> -> vector<256x128xf32>
    %add3A_32 = arith.addf %add3A_26, %dot_general3A_31 : vector<256x128xf32>
    %max3A_33 = arith.constant 0.000000e+00 : f32
    %max3A_34 = vector.broadcast %max3A_33 : f32 to vector<256x128xf32>
    %max3A_35 = arith.maximumf %add3A_32, %max3A_34 : vector<256x128xf32>
    %swap3A = arith.constant 0 : index
    %swap3A_36 = arith.constant 0 : index
    %swap3A_37 = vector.load %arg12[%swap3A, %swap3A_36] : memref<256x128xf32, #tpu.memory_space<vmem>>, vector<256x128xf32>
    tpu.vector_store %arg12[%swap3A, %swap3A_36], %max3A_35 {strides = array<i32>} : memref<256x128xf32, #tpu.memory_space<vmem>>, vector<256x128xf32>,
    %get3A_38 = arith.constant 0 : index
    %get3A_39 = arith.constant 0 : index
    %get3A_40 = vector.load %arg10[%get3A_38, %get3A_39] : memref<1x128xf32, #tpu.memory_space<vmem>>, vector<1x128xf32>
    %get3A_41 = arith.constant 0 : index
    %get3A_42 = arith.constant 0 : index
    %get3A_43 = vector.load %arg11[%get3A_41, %get3A_42] : memref<1x128xf32, #tpu.memory_space<vmem>>, vector<1x128xf32>
    %mul3A = arith.mulf %get3A_40, %get3A_40 : vector<1x128xf32>
    %reduce_sum3A = vector.shape_cast %mul3A : vector<1x128xf32> to vector<1x1x128xf32>
    %reduce_sum3A_44 = arith.constant dense<0.000000e+00> : vector<1xf32>
    %reduce_sum3A_45 = vector.multi_reduction <add>, %reduce_sum3A, %reduce_sum3A_44 [1, 2] : vector<1x1x128xf32> to vector<1xf32>
    %reduce_sum3A_46 = vector.shape_cast %reduce_sum3A_45 : vector<1xf32> to vector<1x1x1xf32>
    %reduce_sum3A_47 = vector.extract %reduce_sum3A_46[0, 0, 0] : f32 from vector<1x1x1xf32>
    %rsqrt3A = math.rsqrt %reduce_sum3A_47 : f32
    %mul3A_48 = arith.mulf %get3A_43, %get3A_43 : vector<1x128xf32>
    %reduce_sum3A_49 = vector.shape_cast %mul3A_48 : vector<1x128xf32> to vector<1x1x128xf32>
    %reduce_sum3A_50 = arith.constant dense<0.000000e+00> : vector<1xf32>
    %reduce_sum3A_51 = vector.multi_reduction <add>, %reduce_sum3A_49, %reduce_sum3A_50 [1, 2] : vector<1x1x128xf32> to vector<1xf32>
    %reduce_sum3A_52 = vector.shape_cast %reduce_sum3A_51 : vector<1xf32> to vector<1x1x1xf32>
    %reduce_sum3A_53 = vector.extract %reduce_sum3A_52[0, 0, 0] : f32 from vector<1x1x1xf32>
    %rsqrt3A_54 = math.rsqrt %reduce_sum3A_53 : f32
    %dot_general3A_55 = arith.constant dense<0.000000e+00> : vector<256x1xf32>
    %dot_general3A_56 = tpu.matmul %max3A_35, %get3A_40, %dot_general3A_55 {dimension_numbers = #tpu.dot_dimension_numbers<[1], [1], [0], [0], [0, 0, 1, 0], [], []>, transpose_lhs_hint = false} : vector<256x128xf32>, vector<1x128xf32>, vector<256x1xf32> -> vector<256x1xf32>
    %mul3A_57 = vector.broadcast %rsqrt3A : f32 to vector<256x1xf32>
    %mul3A_58 = arith.mulf %dot_general3A_56, %mul3A_57 : vector<256x1xf32>
    %tanh3A = math.tanh %mul3A_58 : vector<256x1xf32>
    %swap3A_59 = arith.constant 0 : index
    %swap3A_60 = arith.constant 0 : index
    %swap3A_61 = vector.load %arg13[%swap3A_59, %swap3A_60] : memref<256x1xf32, #tpu.memory_space<vmem>>, vector<256x1xf32>
    tpu.vector_store %arg13[%swap3A_59, %swap3A_60], %tanh3A {strides = array<i32>} : memref<256x1xf32, #tpu.memory_space<vmem>>, vector<256x1xf32>,
    %dot_general3A_62 = arith.constant dense<0.000000e+00> : vector<256x1xf32>
    %dot_general3A_63 = tpu.matmul %max3A_35, %get3A_43, %dot_general3A_62 {dimension_numbers = #tpu.dot_dimension_numbers<[1], [1], [0], [0], [0, 0, 1, 0], [], []>, transpose_lhs_hint = false} : vector<256x128xf32>, vector<1x128xf32>, vector<256x1xf32> -> vector<256x1xf32>
    %mul3A_64 = vector.broadcast %rsqrt3A_54 : f32 to vector<256x1xf32>
    %mul3A_65 = arith.mulf %dot_general3A_63, %mul3A_64 : vector<256x1xf32>
    %swap3A_66 = arith.constant 0 : index
    %swap3A_67 = arith.constant 0 : index
    %swap3A_68 = vector.load %arg14[%swap3A_66, %swap3A_67] : memref<256x1xf32, #tpu.memory_space<vmem>>, vector<256x1xf32>
    tpu.vector_store %arg14[%swap3A_66, %swap3A_67], %mul3A_65 {strides = array<i32>} : memref<256x1xf32, #tpu.memory_space<vmem>>, vector<256x1xf32>,
    %iota3A = tpu.iota {dimensions = array<i32: 1>} : vector<1x64xi32>
    %get3A_69 = arith.constant 0 : index
    %get3A_70 = arith.constant 0 : index
    %get3A_71 = vector.load %arg6[%get3A_69, %get3A_70] : memref<256x1xi32, #tpu.memory_space<vmem>>, vector<256x1xi32>
    %eq3A = vector.broadcast %get3A_71 : vector<256x1xi32> to vector<256x64xi32>
    %eq3A_72 = vector.broadcast %iota3A : vector<1x64xi32> to vector<256x64xi32>
    %eq3A_73 = arith.cmpi eq, %eq3A, %eq3A_72 : vector<256x64xi32>
    %convert_element_type3A = arith.extui %eq3A_73 : vector<256x64xi1> to vector<256x64xi32>
    %eq3A_74 = arith.constant 0 : i32
    %eq3A_75 = arith.cmpi eq, %arg0, %eq3A_74 : i32
    %convert_element_type3A_76 = arith.extui %eq3A_75 : i1 to i32
    %cond3A = arith.constant 0 : i32
    %cond3A_77 = arith.cmpi ne, %convert_element_type3A_76, %cond3A : i32
    scf.if %cond3A_77 {
      %broadcast_in_dim3A_87 = arith.constant 0 : i32
      %broadcast_in_dim3A_88 = vector.broadcast %broadcast_in_dim3A_87 : i32 to vector<1x64xi32>
      %swap3A_89 = arith.constant 0 : index
      %swap3A_90 = arith.constant 0 : index
      %swap3A_91 = vector.load %arg15[%swap3A_89, %swap3A_90] : memref<1x64xi32, #tpu.memory_space<vmem>>, vector<1x64xi32>
      tpu.vector_store %arg15[%swap3A_89, %swap3A_90], %broadcast_in_dim3A_88 {strides = array<i32>} : memref<1x64xi32, #tpu.memory_space<vmem>>, vector<1x64xi32>,
    } else {
    }
    %get3A_78 = arith.constant 0 : index
    %get3A_79 = arith.constant 0 : index
    %get3A_80 = vector.load %arg15[%get3A_78, %get3A_79] : memref<1x64xi32, #tpu.memory_space<vmem>>, vector<1x64xi32>
    %reduce_sum3A_81 = arith.constant dense<0> : vector<64xi32>
    %reduce_sum3A_82 = vector.multi_reduction <add>, %convert_element_type3A, %reduce_sum3A_81 [0] : vector<256x64xi32> to vector<64xi32>
    %broadcast_in_dim3A = vector.shape_cast %reduce_sum3A_82 : vector<64xi32> to vector<1x64xi32>
    %add3A_83 = arith.addi %get3A_80, %broadcast_in_dim3A : vector<1x64xi32>
    %swap3A_84 = arith.constant 0 : index
    %swap3A_85 = arith.constant 0 : index
    %swap3A_86 = vector.load %arg15[%swap3A_84, %swap3A_85] : memref<1x64xi32, #tpu.memory_space<vmem>>, vector<1x64xi32>
    tpu.vector_store %arg15[%swap3A_84, %swap3A_85], %add3A_83 {strides = array<i32>} : memref<1x64xi32, #tpu.memory_space<vmem>>, vector<1x64xi32>,
    return
  }
  func.func @transform_0(%arg0: i32) -> (i32, i32) {
    %c0_i32 = arith.constant 0 : i32
    %c0_i32_0 = arith.constant 0 : i32
    return %arg0, %c0_i32 : i32, i32
  }
  func.func @transform_1(%arg0: i32) -> (i32, i32) {
    %c0_i32 = arith.constant 0 : i32
    %c0_i32_0 = arith.constant 0 : i32
    return %arg0, %c0_i32 : i32, i32
  }
  func.func @transform_2(%arg0: i32) -> (i32, i32) {
    %c0_i32 = arith.constant 0 : i32
    %c0_i32_0 = arith.constant 0 : i32
    return %arg0, %c0_i32 : i32, i32
  }
  func.func @transform_3(%arg0: i32) -> (i32, i32) {
    %c0_i32 = arith.constant 0 : i32
    %c0_i32_0 = arith.constant 0 : i32
    return %arg0, %c0_i32 : i32, i32
  }
  func.func @transform_4(%arg0: i32) -> (i32, i32) {
    %c0_i32 = arith.constant 0 : i32
    %c0_i32_0 = arith.constant 0 : i32
    return %arg0, %c0_i32 : i32, i32
  }
  func.func @transform_5(%arg0: i32) -> (i32, i32) {
    %c0_i32 = arith.constant 0 : i32
    %c0_i32_0 = arith.constant 0 : i32
    return %arg0, %c0_i32 : i32, i32
  }
  func.func @transform_6(%arg0: i32) -> (i32, i32) {
    %c0_i32 = arith.constant 0 : i32
    %c0_i32_0 = arith.constant 0 : i32
    %c0_i32_1 = arith.constant 0 : i32
    return %c0_i32, %c0_i32_0 : i32, i32
  }
  func.func @transform_7(%arg0: i32) -> (i32, i32) {
    %c0_i32 = arith.constant 0 : i32
    %c0_i32_0 = arith.constant 0 : i32
    %c0_i32_1 = arith.constant 0 : i32
    return %c0_i32, %c0_i32_0 : i32, i32
  }
  func.func @transform_8(%arg0: i32) -> (i32, i32) {
    %c0_i32 = arith.constant 0 : i32
    %c0_i32_0 = arith.constant 0 : i32
    %c0_i32_1 = arith.constant 0 : i32
    return %c0_i32, %c0_i32_0 : i32, i32
  }
  func.func @transform_9(%arg0: i32) -> (i32, i32) {
    %c0_i32 = arith.constant 0 : i32
    %c0_i32_0 = arith.constant 0 : i32
    %c0_i32_1 = arith.constant 0 : i32
    return %c0_i32, %c0_i32_0 : i32, i32
  }
  func.func @transform_10(%arg0: i32) -> (i32, i32) {
    %c0_i32 = arith.constant 0 : i32
    %c0_i32_0 = arith.constant 0 : i32
    %c0_i32_1 = arith.constant 0 : i32
    return %c0_i32, %c0_i32_0 : i32, i32
  }
  func.func @transform_11(%arg0: i32) -> (i32, i32) {
    %c0_i32 = arith.constant 0 : i32
    %c0_i32_0 = arith.constant 0 : i32
    return %arg0, %c0_i32 : i32, i32
  }
  func.func @transform_12(%arg0: i32) -> (i32, i32) {
    %c0_i32 = arith.constant 0 : i32
    %c0_i32_0 = arith.constant 0 : i32
    return %arg0, %c0_i32 : i32, i32
  }
  func.func @transform_13(%arg0: i32) -> (i32, i32) {
    %c0_i32 = arith.constant 0 : i32
    %c0_i32_0 = arith.constant 0 : i32
    return %arg0, %c0_i32 : i32, i32
  }
  func.func @transform_14(%arg0: i32) -> (i32, i32) {
    %c0_i32 = arith.constant 0 : i32
    %c0_i32_0 = arith.constant 0 : i32
    %c0_i32_1 = arith.constant 0 : i32
    return %c0_i32, %c0_i32_0 : i32, i32
  }
}

module attributes {stable_mosaic.version = 14 : i64} {
  func.func @_rank1_body(%arg0: i32, %arg1: memref<256x1xf32, #tpu.memory_space<vmem>>, %arg2: memref<256x1xi32, #tpu.memory_space<vmem>>, %arg3: memref<1x11776xf32, #tpu.memory_space<vmem>>, %arg4: memref<1x11776xi32, #tpu.memory_space<vmem>>, %arg5: memref<1x64xi32, #tpu.memory_space<vmem>>, %arg6: memref<256x1xf32, #tpu.memory_space<vmem>>, %arg7: memref<256x1xf32, #tpu.memory_space<vmem>>) attributes {dimension_semantics = [#tpu.dimension_semantics<arbitrary>], iteration_bounds = array<i64: 40>, scalar_prefetch = 0 : i64, scratch_operands = 0 : i64, tpu.core_type = #tpu.core_type<tc>, window_params = [{transform_indices = @transform_0, window_bounds = array<i64: 256, 1>}, {transform_indices = @transform_1, window_bounds = array<i64: 256, 1>}, {pipeline_mode = #tpu.pipeline_mode<synchronous>, transform_indices = @transform_2, window_bounds = array<i64: 1, 11776>}, {pipeline_mode = #tpu.pipeline_mode<synchronous>, transform_indices = @transform_3, window_bounds = array<i64: 1, 11776>}, {pipeline_mode = #tpu.pipeline_mode<synchronous>, transform_indices = @transform_4, window_bounds = array<i64: 1, 64>}, {transform_indices = @transform_5, window_bounds = array<i64: 256, 1>}, {transform_indices = @transform_6, window_bounds = array<i64: 256, 1>}]} {
    %get3A = arith.constant 0 : index
    %get3A_0 = arith.constant 0 : index
    %get3A_1 = vector.load %arg1[%get3A, %get3A_0] : memref<256x1xf32, #tpu.memory_space<vmem>>, vector<256x1xf32>
    %mul3A = arith.constant 256 : i32
    %mul3A_2 = arith.muli %arg0, %mul3A : i32
    %get3A_3 = arith.constant 0 : index
    %get3A_4 = arith.index_cast %mul3A_2 : i32 to index
    %get3A_5 = vector.load %arg3[%get3A_3, %get3A_4] : memref<1x11776xf32, #tpu.memory_space<vmem>>, vector<1x1792xf32>
    %mul3A_6 = arith.constant 256 : i32
    %mul3A_7 = arith.muli %arg0, %mul3A_6 : i32
    %get3A_8 = arith.constant 0 : index
    %get3A_9 = arith.index_cast %mul3A_7 : i32 to index
    %get3A_10 = vector.load %arg4[%get3A_8, %get3A_9] : memref<1x11776xi32, #tpu.memory_space<vmem>>, vector<1x1792xi32>
    %get3A_11 = arith.constant 0 : index
    %get3A_12 = arith.constant 0 : index
    %get3A_13 = vector.load %arg2[%get3A_11, %get3A_12] : memref<256x1xi32, #tpu.memory_space<vmem>>, vector<256x1xi32>
    %mul3A_14 = arith.constant 256 : i32
    %mul3A_15 = arith.muli %arg0, %mul3A_14 : i32
    %iota3A = tpu.iota {dimensions = array<i32: 0>} : vector<256x1xi32>
    %add3A = vector.broadcast %mul3A_15 : i32 to vector<256x1xi32>
    %add3A_16 = arith.addi %add3A, %iota3A : vector<256x1xi32>
    %mul3A_17 = arith.constant 256 : i32
    %mul3A_18 = arith.muli %arg0, %mul3A_17 : i32
    %sub3A = arith.constant 768 : i32
    %sub3A_19 = arith.subi %mul3A_18, %sub3A : i32
    %iota3A_20 = tpu.iota {dimensions = array<i32: 1>} : vector<1x1792xi32>
    %add3A_21 = vector.broadcast %sub3A_19 : i32 to vector<1x1792xi32>
    %add3A_22 = arith.addi %add3A_21, %iota3A_20 : vector<1x1792xi32>
    %eq3A = vector.broadcast %get3A_13 : vector<256x1xi32> to vector<256x1792xi32>
    %eq3A_23 = vector.broadcast %get3A_10 : vector<1x1792xi32> to vector<256x1792xi32>
    %eq3A_24 = arith.cmpi eq, %eq3A, %eq3A_23 : vector<256x1792xi32>
    %gt3A = vector.broadcast %get3A_5 : vector<1x1792xf32> to vector<256x1792xf32>
    %gt3A_25 = vector.broadcast %get3A_1 : vector<256x1xf32> to vector<256x1792xf32>
    %gt3A_26 = arith.cmpf ogt, %gt3A, %gt3A_25 : vector<256x1792xf32>
    %eq3A_27 = vector.broadcast %get3A_5 : vector<1x1792xf32> to vector<256x1792xf32>
    %eq3A_28 = vector.broadcast %get3A_1 : vector<256x1xf32> to vector<256x1792xf32>
    %eq3A_29 = arith.cmpf oeq, %eq3A_27, %eq3A_28 : vector<256x1792xf32>
    %lt3A = vector.broadcast %add3A_22 : vector<1x1792xi32> to vector<256x1792xi32>
    %lt3A_30 = vector.broadcast %add3A_16 : vector<256x1xi32> to vector<256x1792xi32>
    %lt3A_31 = arith.cmpi slt, %lt3A, %lt3A_30 : vector<256x1792xi32>
    %and3A = arith.andi %eq3A_29, %lt3A_31 : vector<256x1792xi1>
    %or3A = arith.ori %gt3A_26, %and3A : vector<256x1792xi1>
    %and3A_32 = arith.andi %eq3A_24, %or3A : vector<256x1792xi1>
    %convert_element_type3A = arith.extui %and3A_32 : vector<256x1792xi1> to vector<256x1792xi32>
    %reduce_sum3A = arith.constant dense<0> : vector<256xi32>
    %reduce_sum3A_33 = vector.multi_reduction <add>, %convert_element_type3A, %reduce_sum3A [1] : vector<256x1792xi32> to vector<256xi32>
    %broadcast_in_dim3A = vector.shape_cast %reduce_sum3A_33 : vector<256xi32> to vector<256x1xi32>
    %get3A_34 = arith.constant 0 : index
    %get3A_35 = arith.constant 0 : index
    %get3A_36 = vector.load %arg5[%get3A_34, %get3A_35] : memref<1x64xi32, #tpu.memory_space<vmem>>, vector<1x64xi32>
    %mul3A_37 = arith.constant 4 : i32
    %mul3A_38 = vector.broadcast %mul3A_37 : i32 to vector<1x64xi32>
    %mul3A_39 = arith.muli %mul3A_38, %get3A_36 : vector<1x64xi32>
    %add3A_40 = arith.constant 4 : i32
    %add3A_41 = vector.broadcast %add3A_40 : i32 to vector<1x64xi32>
    %add3A_42 = arith.addi %mul3A_39, %add3A_41 : vector<1x64xi32>
    %jit3A = arith.constant 5 : i32
    %div3A = vector.broadcast %jit3A : i32 to vector<1x64xi32>
    %div3A_43 = arith.divsi %add3A_42, %div3A : vector<1x64xi32>
    %sign3A = arith.constant 0 : i32
    %sign3A_44 = vector.broadcast %sign3A : i32 to vector<1x64xi32>
    %sign3A_45 = arith.cmpi sgt, %add3A_42, %sign3A_44 : vector<1x64xi32>
    %sign3A_46 = arith.extui %sign3A_45 : vector<1x64xi1> to vector<1x64xi32>
    %sign3A_47 = arith.constant 0 : i32
    %sign3A_48 = vector.broadcast %sign3A_47 : i32 to vector<1x64xi32>
    %sign3A_49 = arith.cmpi slt, %add3A_42, %sign3A_48 : vector<1x64xi32>
    %sign3A_50 = arith.extui %sign3A_49 : vector<1x64xi1> to vector<1x64xi32>
    %sign3A_51 = arith.subi %sign3A_46, %sign3A_50 : vector<1x64xi32>
    %sign3A_52 = arith.constant 0 : i32
    %sign3A_53 = arith.cmpi sgt, %jit3A, %sign3A_52 : i32
    %sign3A_54 = arith.extui %sign3A_53 : i1 to i32
    %sign3A_55 = arith.constant 0 : i32
    %sign3A_56 = arith.cmpi slt, %jit3A, %sign3A_55 : i32
    %sign3A_57 = arith.extui %sign3A_56 : i1 to i32
    %sign3A_58 = arith.subi %sign3A_54, %sign3A_57 : i32
    %ne3A = vector.broadcast %sign3A_58 : i32 to vector<1x64xi32>
    %ne3A_59 = arith.cmpi ne, %sign3A_51, %ne3A : vector<1x64xi32>
    %rem3A = vector.broadcast %jit3A : i32 to vector<1x64xi32>
    %rem3A_60 = arith.remsi %add3A_42, %rem3A : vector<1x64xi32>
    %ne3A_61 = arith.constant 0 : i32
    %ne3A_62 = vector.broadcast %ne3A_61 : i32 to vector<1x64xi32>
    %ne3A_63 = arith.cmpi ne, %rem3A_60, %ne3A_62 : vector<1x64xi32>
    %and3A_64 = arith.andi %ne3A_59, %ne3A_63 : vector<1x64xi1>
    %sub3A_65 = arith.constant 1 : i32
    %sub3A_66 = vector.broadcast %sub3A_65 : i32 to vector<1x64xi32>
    %sub3A_67 = arith.subi %div3A_43, %sub3A_66 : vector<1x64xi32>
    %select_n3A = arith.select %and3A_64, %sub3A_67, %div3A_43 : vector<1x64xi1>, vector<1x64xi32>
    %max3A = arith.constant 1 : i32
    %max3A_68 = vector.broadcast %max3A : i32 to vector<1x64xi32>
    %max3A_69 = arith.maxsi %select_n3A, %max3A_68 : vector<1x64xi32>
    %get3A_70 = arith.constant 0 : index
    %get3A_71 = arith.constant 0 : index
    %get3A_72 = vector.load %arg2[%get3A_70, %get3A_71] : memref<256x1xi32, #tpu.memory_space<vmem>>, vector<256x1xi32>
    %iota3A_73 = tpu.iota {dimensions = array<i32: 1>} : vector<1x64xi32>
    %eq3A_74 = vector.broadcast %get3A_72 : vector<256x1xi32> to vector<256x64xi32>
    %eq3A_75 = vector.broadcast %iota3A_73 : vector<1x64xi32> to vector<256x64xi32>
    %eq3A_76 = arith.cmpi eq, %eq3A_74, %eq3A_75 : vector<256x64xi32>
    %jit3A_77 = arith.constant 0 : i32
    %broadcast_in_dim3A_78 = vector.shape_cast %max3A_69 : vector<1x64xi32> to vector<1x64xi32>
    %broadcast_in_dim3A_79 = vector.broadcast %broadcast_in_dim3A_78 : vector<1x64xi32> to vector<256x64xi32>
    %broadcast_in_dim3A_80 = vector.broadcast %jit3A_77 : i32 to vector<256x64xi32>
    %select_n3A_81 = arith.select %eq3A_76, %broadcast_in_dim3A_79, %broadcast_in_dim3A_80 : vector<256x64xi1>, vector<256x64xi32>
    %reduce_sum3A_82 = arith.constant dense<0> : vector<256xi32>
    %reduce_sum3A_83 = vector.multi_reduction <add>, %select_n3A_81, %reduce_sum3A_82 [1] : vector<256x64xi32> to vector<256xi32>
    %broadcast_in_dim3A_84 = vector.shape_cast %reduce_sum3A_83 : vector<256xi32> to vector<256x1xi32>
    %lt3A_85 = arith.cmpi slt, %broadcast_in_dim3A, %broadcast_in_dim3A_84 : vector<256x1xi32>
    %convert_element_type3A_86 = arith.extui %lt3A_85 : vector<256x1xi1> to vector<256x1xi32>
    %convert_element_type3A_87 = arith.sitofp %convert_element_type3A_86 : vector<256x1xi32> to vector<256x1xf32>
    %swap3A = arith.constant 0 : index
    %swap3A_88 = arith.constant 0 : index
    %swap3A_89 = vector.load %arg6[%swap3A, %swap3A_88] : memref<256x1xf32, #tpu.memory_space<vmem>>, vector<256x1xf32>
    tpu.vector_store %arg6[%swap3A, %swap3A_88], %convert_element_type3A_87 {strides = array<i32>} : memref<256x1xf32, #tpu.memory_space<vmem>>, vector<256x1xf32>,
    %jit3A_90 = arith.constant 0.000000e+00 : f32
    %broadcast_in_dim3A_91 = vector.broadcast %jit3A_90 : f32 to vector<256x1xf32>
    %select_n3A_92 = arith.select %lt3A_85, %get3A_1, %broadcast_in_dim3A_91 : vector<256x1xi1>, vector<256x1xf32>
    %swap3A_93 = arith.constant 0 : index
    %swap3A_94 = arith.constant 0 : index
    %swap3A_95 = vector.load %arg7[%swap3A_93, %swap3A_94] : memref<256x1xf32, #tpu.memory_space<vmem>>, vector<256x1xf32>
    tpu.vector_store %arg7[%swap3A_93, %swap3A_94], %select_n3A_92 {strides = array<i32>} : memref<256x1xf32, #tpu.memory_space<vmem>>, vector<256x1xf32>,
    return
  }
  func.func @transform_0(%arg0: i32) -> (i32, i32) {
    %c0_i32 = arith.constant 0 : i32
    %c0_i32_0 = arith.constant 0 : i32
    return %arg0, %c0_i32 : i32, i32
  }
  func.func @transform_1(%arg0: i32) -> (i32, i32) {
    %c0_i32 = arith.constant 0 : i32
    %c0_i32_0 = arith.constant 0 : i32
    return %arg0, %c0_i32 : i32, i32
  }
  func.func @transform_2(%arg0: i32) -> (i32, i32) {
    %c0_i32 = arith.constant 0 : i32
    %c0_i32_0 = arith.constant 0 : i32
    %c0_i32_1 = arith.constant 0 : i32
    return %c0_i32, %c0_i32_0 : i32, i32
  }
  func.func @transform_3(%arg0: i32) -> (i32, i32) {
    %c0_i32 = arith.constant 0 : i32
    %c0_i32_0 = arith.constant 0 : i32
    %c0_i32_1 = arith.constant 0 : i32
    return %c0_i32, %c0_i32_0 : i32, i32
  }
  func.func @transform_4(%arg0: i32) -> (i32, i32) {
    %c0_i32 = arith.constant 0 : i32
    %c0_i32_0 = arith.constant 0 : i32
    %c0_i32_1 = arith.constant 0 : i32
    return %c0_i32, %c0_i32_0 : i32, i32
  }
  func.func @transform_5(%arg0: i32) -> (i32, i32) {
    %c0_i32 = arith.constant 0 : i32
    %c0_i32_0 = arith.constant 0 : i32
    return %arg0, %c0_i32 : i32, i32
  }
  func.func @transform_6(%arg0: i32) -> (i32, i32) {
    %c0_i32 = arith.constant 0 : i32
    %c0_i32_0 = arith.constant 0 : i32
    return %arg0, %c0_i32 : i32, i32
  }
}

module attributes {stable_mosaic.version = 14 : i64} {
  func.func @_rank2_body(%arg0: i32, %arg1: memref<256x1xf32, #tpu.memory_space<vmem>>, %arg2: memref<256x1xf32, #tpu.memory_space<vmem>>, %arg3: memref<256x1xf32, #tpu.memory_space<vmem>>, %arg4: memref<256x1xi32, #tpu.memory_space<vmem>>, %arg5: memref<1x11776xf32, #tpu.memory_space<vmem>>, %arg6: memref<1x11776xf32, #tpu.memory_space<vmem>>, %arg7: memref<1x11776xf32, #tpu.memory_space<vmem>>, %arg8: memref<1x11776xi32, #tpu.memory_space<vmem>>, %arg9: memref<1x64xi32, #tpu.memory_space<vmem>>, %arg10: memref<256x1xf32, #tpu.memory_space<vmem>>, %arg11: memref<256x1xf32, #tpu.memory_space<vmem>>) attributes {dimension_semantics = [#tpu.dimension_semantics<arbitrary>], iteration_bounds = array<i64: 40>, scalar_prefetch = 0 : i64, scratch_operands = 0 : i64, tpu.core_type = #tpu.core_type<tc>, window_params = [{transform_indices = @transform_0, window_bounds = array<i64: 256, 1>}, {transform_indices = @transform_1, window_bounds = array<i64: 256, 1>}, {transform_indices = @transform_2, window_bounds = array<i64: 256, 1>}, {transform_indices = @transform_3, window_bounds = array<i64: 256, 1>}, {pipeline_mode = #tpu.pipeline_mode<synchronous>, transform_indices = @transform_4, window_bounds = array<i64: 1, 11776>}, {pipeline_mode = #tpu.pipeline_mode<synchronous>, transform_indices = @transform_5, window_bounds = array<i64: 1, 11776>}, {pipeline_mode = #tpu.pipeline_mode<synchronous>, transform_indices = @transform_6, window_bounds = array<i64: 1, 11776>}, {pipeline_mode = #tpu.pipeline_mode<synchronous>, transform_indices = @transform_7, window_bounds = array<i64: 1, 11776>}, {pipeline_mode = #tpu.pipeline_mode<synchronous>, transform_indices = @transform_8, window_bounds = array<i64: 1, 64>}, {transform_indices = @transform_9, window_bounds = array<i64: 256, 1>}, {transform_indices = @transform_10, window_bounds = array<i64: 256, 1>}]} {
    %get3A = arith.constant 0 : index
    %get3A_0 = arith.constant 0 : index
    %get3A_1 = vector.load %arg2[%get3A, %get3A_0] : memref<256x1xf32, #tpu.memory_space<vmem>>, vector<256x1xf32>
    %gt3A = arith.constant 0.000000e+00 : f32
    %gt3A_2 = vector.broadcast %gt3A : f32 to vector<256x1xf32>
    %gt3A_3 = arith.cmpf ogt, %get3A_1, %gt3A_2 : vector<256x1xf32>
    %get3A_4 = arith.constant 0 : index
    %get3A_5 = arith.constant 0 : index
    %get3A_6 = vector.load %arg1[%get3A_4, %get3A_5] : memref<256x1xf32, #tpu.memory_space<vmem>>, vector<256x1xf32>
    %get3A_7 = arith.constant 0 : index
    %get3A_8 = arith.constant 0 : index
    %get3A_9 = vector.load %arg3[%get3A_7, %get3A_8] : memref<256x1xf32, #tpu.memory_space<vmem>>, vector<256x1xf32>
    %mul3A = arith.mulf %get3A_6, %get3A_9 : vector<256x1xf32>
    %tanh3A = math.tanh %mul3A : vector<256x1xf32>
    %jit3A = arith.constant 0xFF800000 : f32
    %broadcast_in_dim3A = vector.broadcast %jit3A : f32 to vector<256x1xf32>
    %select_n3A = arith.select %gt3A_3, %tanh3A, %broadcast_in_dim3A : vector<256x1xi1>, vector<256x1xf32>
    %mul3A_10 = arith.constant 256 : i32
    %mul3A_11 = arith.muli %arg0, %mul3A_10 : i32
    %get3A_12 = arith.constant 0 : index
    %get3A_13 = arith.index_cast %mul3A_11 : i32 to index
    %get3A_14 = vector.load %arg5[%get3A_12, %get3A_13] : memref<1x11776xf32, #tpu.memory_space<vmem>>, vector<1x1792xf32>
    %mul3A_15 = arith.constant 256 : i32
    %mul3A_16 = arith.muli %arg0, %mul3A_15 : i32
    %get3A_17 = arith.constant 0 : index
    %get3A_18 = arith.index_cast %mul3A_16 : i32 to index
    %get3A_19 = vector.load %arg6[%get3A_17, %get3A_18] : memref<1x11776xf32, #tpu.memory_space<vmem>>, vector<1x1792xf32>
    %mul3A_20 = arith.constant 256 : i32
    %mul3A_21 = arith.muli %arg0, %mul3A_20 : i32
    %get3A_22 = arith.constant 0 : index
    %get3A_23 = arith.index_cast %mul3A_21 : i32 to index
    %get3A_24 = vector.load %arg7[%get3A_22, %get3A_23] : memref<1x11776xf32, #tpu.memory_space<vmem>>, vector<1x1792xf32>
    %gt3A_25 = arith.constant 0.000000e+00 : f32
    %gt3A_26 = vector.broadcast %gt3A_25 : f32 to vector<1x1792xf32>
    %gt3A_27 = arith.cmpf ogt, %get3A_19, %gt3A_26 : vector<1x1792xf32>
    %mul3A_28 = arith.mulf %get3A_14, %get3A_24 : vector<1x1792xf32>
    %tanh3A_29 = math.tanh %mul3A_28 : vector<1x1792xf32>
    %jit3A_30 = arith.constant 0xFF800000 : f32
    %broadcast_in_dim3A_31 = vector.broadcast %jit3A_30 : f32 to vector<1x1792xf32>
    %select_n3A_32 = arith.select %gt3A_27, %tanh3A_29, %broadcast_in_dim3A_31 : vector<1x1792xi1>, vector<1x1792xf32>
    %mul3A_33 = arith.constant 256 : i32
    %mul3A_34 = arith.muli %arg0, %mul3A_33 : i32
    %get3A_35 = arith.constant 0 : index
    %get3A_36 = arith.index_cast %mul3A_34 : i32 to index
    %get3A_37 = vector.load %arg8[%get3A_35, %get3A_36] : memref<1x11776xi32, #tpu.memory_space<vmem>>, vector<1x1792xi32>
    %get3A_38 = arith.constant 0 : index
    %get3A_39 = arith.constant 0 : index
    %get3A_40 = vector.load %arg4[%get3A_38, %get3A_39] : memref<256x1xi32, #tpu.memory_space<vmem>>, vector<256x1xi32>
    %mul3A_41 = arith.constant 256 : i32
    %mul3A_42 = arith.muli %arg0, %mul3A_41 : i32
    %iota3A = tpu.iota {dimensions = array<i32: 0>} : vector<256x1xi32>
    %add3A = vector.broadcast %mul3A_42 : i32 to vector<256x1xi32>
    %add3A_43 = arith.addi %add3A, %iota3A : vector<256x1xi32>
    %mul3A_44 = arith.constant 256 : i32
    %mul3A_45 = arith.muli %arg0, %mul3A_44 : i32
    %sub3A = arith.constant 768 : i32
    %sub3A_46 = arith.subi %mul3A_45, %sub3A : i32
    %iota3A_47 = tpu.iota {dimensions = array<i32: 1>} : vector<1x1792xi32>
    %add3A_48 = vector.broadcast %sub3A_46 : i32 to vector<1x1792xi32>
    %add3A_49 = arith.addi %add3A_48, %iota3A_47 : vector<1x1792xi32>
    %eq3A = vector.broadcast %get3A_40 : vector<256x1xi32> to vector<256x1792xi32>
    %eq3A_50 = vector.broadcast %get3A_37 : vector<1x1792xi32> to vector<256x1792xi32>
    %eq3A_51 = arith.cmpi eq, %eq3A, %eq3A_50 : vector<256x1792xi32>
    %gt3A_52 = vector.broadcast %select_n3A_32 : vector<1x1792xf32> to vector<256x1792xf32>
    %gt3A_53 = vector.broadcast %select_n3A : vector<256x1xf32> to vector<256x1792xf32>
    %gt3A_54 = arith.cmpf ogt, %gt3A_52, %gt3A_53 : vector<256x1792xf32>
    %eq3A_55 = vector.broadcast %select_n3A_32 : vector<1x1792xf32> to vector<256x1792xf32>
    %eq3A_56 = vector.broadcast %select_n3A : vector<256x1xf32> to vector<256x1792xf32>
    %eq3A_57 = arith.cmpf oeq, %eq3A_55, %eq3A_56 : vector<256x1792xf32>
    %lt3A = vector.broadcast %add3A_49 : vector<1x1792xi32> to vector<256x1792xi32>
    %lt3A_58 = vector.broadcast %add3A_43 : vector<256x1xi32> to vector<256x1792xi32>
    %lt3A_59 = arith.cmpi slt, %lt3A, %lt3A_58 : vector<256x1792xi32>
    %and3A = arith.andi %eq3A_57, %lt3A_59 : vector<256x1792xi1>
    %or3A = arith.ori %gt3A_54, %and3A : vector<256x1792xi1>
    %and3A_60 = arith.andi %eq3A_51, %or3A : vector<256x1792xi1>
    %convert_element_type3A = arith.extui %and3A_60 : vector<256x1792xi1> to vector<256x1792xi32>
    %reduce_sum3A = arith.constant dense<0> : vector<256xi32>
    %reduce_sum3A_61 = vector.multi_reduction <add>, %convert_element_type3A, %reduce_sum3A [1] : vector<256x1792xi32> to vector<256xi32>
    %broadcast_in_dim3A_62 = vector.shape_cast %reduce_sum3A_61 : vector<256xi32> to vector<256x1xi32>
    %get3A_63 = arith.constant 0 : index
    %get3A_64 = arith.constant 0 : index
    %get3A_65 = vector.load %arg9[%get3A_63, %get3A_64] : memref<1x64xi32, #tpu.memory_space<vmem>>, vector<1x64xi32>
    %mul3A_66 = arith.constant 4 : i32
    %mul3A_67 = vector.broadcast %mul3A_66 : i32 to vector<1x64xi32>
    %mul3A_68 = arith.muli %mul3A_67, %get3A_65 : vector<1x64xi32>
    %add3A_69 = arith.constant 4 : i32
    %add3A_70 = vector.broadcast %add3A_69 : i32 to vector<1x64xi32>
    %add3A_71 = arith.addi %mul3A_68, %add3A_70 : vector<1x64xi32>
    %jit3A_72 = arith.constant 5 : i32
    %div3A = vector.broadcast %jit3A_72 : i32 to vector<1x64xi32>
    %div3A_73 = arith.divsi %add3A_71, %div3A : vector<1x64xi32>
    %sign3A = arith.constant 0 : i32
    %sign3A_74 = vector.broadcast %sign3A : i32 to vector<1x64xi32>
    %sign3A_75 = arith.cmpi sgt, %add3A_71, %sign3A_74 : vector<1x64xi32>
    %sign3A_76 = arith.extui %sign3A_75 : vector<1x64xi1> to vector<1x64xi32>
    %sign3A_77 = arith.constant 0 : i32
    %sign3A_78 = vector.broadcast %sign3A_77 : i32 to vector<1x64xi32>
    %sign3A_79 = arith.cmpi slt, %add3A_71, %sign3A_78 : vector<1x64xi32>
    %sign3A_80 = arith.extui %sign3A_79 : vector<1x64xi1> to vector<1x64xi32>
    %sign3A_81 = arith.subi %sign3A_76, %sign3A_80 : vector<1x64xi32>
    %sign3A_82 = arith.constant 0 : i32
    %sign3A_83 = arith.cmpi sgt, %jit3A_72, %sign3A_82 : i32
    %sign3A_84 = arith.extui %sign3A_83 : i1 to i32
    %sign3A_85 = arith.constant 0 : i32
    %sign3A_86 = arith.cmpi slt, %jit3A_72, %sign3A_85 : i32
    %sign3A_87 = arith.extui %sign3A_86 : i1 to i32
    %sign3A_88 = arith.subi %sign3A_84, %sign3A_87 : i32
    %ne3A = vector.broadcast %sign3A_88 : i32 to vector<1x64xi32>
    %ne3A_89 = arith.cmpi ne, %sign3A_81, %ne3A : vector<1x64xi32>
    %rem3A = vector.broadcast %jit3A_72 : i32 to vector<1x64xi32>
    %rem3A_90 = arith.remsi %add3A_71, %rem3A : vector<1x64xi32>
    %ne3A_91 = arith.constant 0 : i32
    %ne3A_92 = vector.broadcast %ne3A_91 : i32 to vector<1x64xi32>
    %ne3A_93 = arith.cmpi ne, %rem3A_90, %ne3A_92 : vector<1x64xi32>
    %and3A_94 = arith.andi %ne3A_89, %ne3A_93 : vector<1x64xi1>
    %sub3A_95 = arith.constant 1 : i32
    %sub3A_96 = vector.broadcast %sub3A_95 : i32 to vector<1x64xi32>
    %sub3A_97 = arith.subi %div3A_73, %sub3A_96 : vector<1x64xi32>
    %select_n3A_98 = arith.select %and3A_94, %sub3A_97, %div3A_73 : vector<1x64xi1>, vector<1x64xi32>
    %max3A = arith.constant 1 : i32
    %max3A_99 = vector.broadcast %max3A : i32 to vector<1x64xi32>
    %max3A_100 = arith.maxsi %select_n3A_98, %max3A_99 : vector<1x64xi32>
    %mul3A_101 = arith.constant 4 : i32
    %mul3A_102 = vector.broadcast %mul3A_101 : i32 to vector<1x64xi32>
    %mul3A_103 = arith.muli %mul3A_102, %max3A_100 : vector<1x64xi32>
    %add3A_104 = arith.constant 4 : i32
    %add3A_105 = vector.broadcast %add3A_104 : i32 to vector<1x64xi32>
    %add3A_106 = arith.addi %mul3A_103, %add3A_105 : vector<1x64xi32>
    %jit3A_107 = arith.constant 5 : i32
    %div3A_108 = vector.broadcast %jit3A_107 : i32 to vector<1x64xi32>
    %div3A_109 = arith.divsi %add3A_106, %div3A_108 : vector<1x64xi32>
    %sign3A_110 = arith.constant 0 : i32
    %sign3A_111 = vector.broadcast %sign3A_110 : i32 to vector<1x64xi32>
    %sign3A_112 = arith.cmpi sgt, %add3A_106, %sign3A_111 : vector<1x64xi32>
    %sign3A_113 = arith.extui %sign3A_112 : vector<1x64xi1> to vector<1x64xi32>
    %sign3A_114 = arith.constant 0 : i32
    %sign3A_115 = vector.broadcast %sign3A_114 : i32 to vector<1x64xi32>
    %sign3A_116 = arith.cmpi slt, %add3A_106, %sign3A_115 : vector<1x64xi32>
    %sign3A_117 = arith.extui %sign3A_116 : vector<1x64xi1> to vector<1x64xi32>
    %sign3A_118 = arith.subi %sign3A_113, %sign3A_117 : vector<1x64xi32>
    %sign3A_119 = arith.constant 0 : i32
    %sign3A_120 = arith.cmpi sgt, %jit3A_107, %sign3A_119 : i32
    %sign3A_121 = arith.extui %sign3A_120 : i1 to i32
    %sign3A_122 = arith.constant 0 : i32
    %sign3A_123 = arith.cmpi slt, %jit3A_107, %sign3A_122 : i32
    %sign3A_124 = arith.extui %sign3A_123 : i1 to i32
    %sign3A_125 = arith.subi %sign3A_121, %sign3A_124 : i32
    %ne3A_126 = vector.broadcast %sign3A_125 : i32 to vector<1x64xi32>
    %ne3A_127 = arith.cmpi ne, %sign3A_118, %ne3A_126 : vector<1x64xi32>
    %rem3A_128 = vector.broadcast %jit3A_107 : i32 to vector<1x64xi32>
    %rem3A_129 = arith.remsi %add3A_106, %rem3A_128 : vector<1x64xi32>
    %ne3A_130 = arith.constant 0 : i32
    %ne3A_131 = vector.broadcast %ne3A_130 : i32 to vector<1x64xi32>
    %ne3A_132 = arith.cmpi ne, %rem3A_129, %ne3A_131 : vector<1x64xi32>
    %and3A_133 = arith.andi %ne3A_127, %ne3A_132 : vector<1x64xi1>
    %sub3A_134 = arith.constant 1 : i32
    %sub3A_135 = vector.broadcast %sub3A_134 : i32 to vector<1x64xi32>
    %sub3A_136 = arith.subi %div3A_109, %sub3A_135 : vector<1x64xi32>
    %select_n3A_137 = arith.select %and3A_133, %sub3A_136, %div3A_109 : vector<1x64xi1>, vector<1x64xi32>
    %max3A_138 = arith.constant 1 : i32
    %max3A_139 = vector.broadcast %max3A_138 : i32 to vector<1x64xi32>
    %max3A_140 = arith.maxsi %select_n3A_137, %max3A_139 : vector<1x64xi32>
    %get3A_141 = arith.constant 0 : index
    %get3A_142 = arith.constant 0 : index
    %get3A_143 = vector.load %arg4[%get3A_141, %get3A_142] : memref<256x1xi32, #tpu.memory_space<vmem>>, vector<256x1xi32>
    %iota3A_144 = tpu.iota {dimensions = array<i32: 1>} : vector<1x64xi32>
    %eq3A_145 = vector.broadcast %get3A_143 : vector<256x1xi32> to vector<256x64xi32>
    %eq3A_146 = vector.broadcast %iota3A_144 : vector<1x64xi32> to vector<256x64xi32>
    %eq3A_147 = arith.cmpi eq, %eq3A_145, %eq3A_146 : vector<256x64xi32>
    %jit3A_148 = arith.constant 0 : i32
    %broadcast_in_dim3A_149 = vector.shape_cast %max3A_140 : vector<1x64xi32> to vector<1x64xi32>
    %broadcast_in_dim3A_150 = vector.broadcast %broadcast_in_dim3A_149 : vector<1x64xi32> to vector<256x64xi32>
    %broadcast_in_dim3A_151 = vector.broadcast %jit3A_148 : i32 to vector<256x64xi32>
    %select_n3A_152 = arith.select %eq3A_147, %broadcast_in_dim3A_150, %broadcast_in_dim3A_151 : vector<256x64xi1>, vector<256x64xi32>
    %reduce_sum3A_153 = arith.constant dense<0> : vector<256xi32>
    %reduce_sum3A_154 = vector.multi_reduction <add>, %select_n3A_152, %reduce_sum3A_153 [1] : vector<256x64xi32> to vector<256xi32>
    %broadcast_in_dim3A_155 = vector.shape_cast %reduce_sum3A_154 : vector<256xi32> to vector<256x1xi32>
    %lt3A_156 = arith.cmpi slt, %broadcast_in_dim3A_62, %broadcast_in_dim3A_155 : vector<256x1xi32>
    %convert_element_type3A_157 = arith.extui %lt3A_156 : vector<256x1xi1> to vector<256x1xi32>
    %convert_element_type3A_158 = arith.sitofp %convert_element_type3A_157 : vector<256x1xi32> to vector<256x1xf32>
    %swap3A = arith.constant 0 : index
    %swap3A_159 = arith.constant 0 : index
    %swap3A_160 = vector.load %arg10[%swap3A, %swap3A_159] : memref<256x1xf32, #tpu.memory_space<vmem>>, vector<256x1xf32>
    tpu.vector_store %arg10[%swap3A, %swap3A_159], %convert_element_type3A_158 {strides = array<i32>} : memref<256x1xf32, #tpu.memory_space<vmem>>, vector<256x1xf32>,
    %jit3A_161 = arith.constant 0.000000e+00 : f32
    %broadcast_in_dim3A_162 = vector.broadcast %jit3A_161 : f32 to vector<256x1xf32>
    %select_n3A_163 = arith.select %lt3A_156, %select_n3A, %broadcast_in_dim3A_162 : vector<256x1xi1>, vector<256x1xf32>
    %swap3A_164 = arith.constant 0 : index
    %swap3A_165 = arith.constant 0 : index
    %swap3A_166 = vector.load %arg11[%swap3A_164, %swap3A_165] : memref<256x1xf32, #tpu.memory_space<vmem>>, vector<256x1xf32>
    tpu.vector_store %arg11[%swap3A_164, %swap3A_165], %select_n3A_163 {strides = array<i32>} : memref<256x1xf32, #tpu.memory_space<vmem>>, vector<256x1xf32>,
    return
  }
  func.func @transform_0(%arg0: i32) -> (i32, i32) {
    %c0_i32 = arith.constant 0 : i32
    %c0_i32_0 = arith.constant 0 : i32
    return %arg0, %c0_i32 : i32, i32
  }
  func.func @transform_1(%arg0: i32) -> (i32, i32) {
    %c0_i32 = arith.constant 0 : i32
    %c0_i32_0 = arith.constant 0 : i32
    return %arg0, %c0_i32 : i32, i32
  }
  func.func @transform_2(%arg0: i32) -> (i32, i32) {
    %c0_i32 = arith.constant 0 : i32
    %c0_i32_0 = arith.constant 0 : i32
    return %arg0, %c0_i32 : i32, i32
  }
  func.func @transform_3(%arg0: i32) -> (i32, i32) {
    %c0_i32 = arith.constant 0 : i32
    %c0_i32_0 = arith.constant 0 : i32
    return %arg0, %c0_i32 : i32, i32
  }
  func.func @transform_4(%arg0: i32) -> (i32, i32) {
    %c0_i32 = arith.constant 0 : i32
    %c0_i32_0 = arith.constant 0 : i32
    %c0_i32_1 = arith.constant 0 : i32
    return %c0_i32, %c0_i32_0 : i32, i32
  }
  func.func @transform_5(%arg0: i32) -> (i32, i32) {
    %c0_i32 = arith.constant 0 : i32
    %c0_i32_0 = arith.constant 0 : i32
    %c0_i32_1 = arith.constant 0 : i32
    return %c0_i32, %c0_i32_0 : i32, i32
  }
  func.func @transform_6(%arg0: i32) -> (i32, i32) {
    %c0_i32 = arith.constant 0 : i32
    %c0_i32_0 = arith.constant 0 : i32
    %c0_i32_1 = arith.constant 0 : i32
    return %c0_i32, %c0_i32_0 : i32, i32
  }
  func.func @transform_7(%arg0: i32) -> (i32, i32) {
    %c0_i32 = arith.constant 0 : i32
    %c0_i32_0 = arith.constant 0 : i32
    %c0_i32_1 = arith.constant 0 : i32
    return %c0_i32, %c0_i32_0 : i32, i32
  }
  func.func @transform_8(%arg0: i32) -> (i32, i32) {
    %c0_i32 = arith.constant 0 : i32
    %c0_i32_0 = arith.constant 0 : i32
    %c0_i32_1 = arith.constant 0 : i32
    return %c0_i32, %c0_i32_0 : i32, i32
  }
  func.func @transform_9(%arg0: i32) -> (i32, i32) {
    %c0_i32 = arith.constant 0 : i32
    %c0_i32_0 = arith.constant 0 : i32
    return %arg0, %c0_i32 : i32, i32
  }
  func.func @transform_10(%arg0: i32) -> (i32, i32) {
    %c0_i32 = arith.constant 0 : i32
    %c0_i32_0 = arith.constant 0 : i32
    return %arg0, %c0_i32 : i32, i32
  }
}

module attributes {stable_mosaic.version = 14 : i64} {
  func.func @_readout_body(%arg0: i32, %arg1: memref<1x64xi32, #tpu.memory_space<smem>>, %arg2: memref<10240x128xf32, #tpu.memory_space<vmem>>, %arg3: memref<10240x1xf32, #tpu.memory_space<vmem>>, %arg4: memref<10240x1xf32, #tpu.memory_space<vmem>>, %arg5: memref<10240x1xf32, #tpu.memory_space<vmem>>, %arg6: memref<10240x1xf32, #tpu.memory_space<vmem>>, %arg7: memref<1x1x256xf32, #tpu.memory_space<vmem>>) attributes {dimension_semantics = [#tpu.dimension_semantics<arbitrary>], iteration_bounds = array<i64: 64>, scalar_prefetch = 0 : i64, scratch_operands = 0 : i64, tpu.core_type = #tpu.core_type<tc>, window_params = [{transform_indices = @transform_0, window_bounds = array<i64: 1, 64>}, {pipeline_mode = #tpu.pipeline_mode<synchronous>, transform_indices = @transform_1, window_bounds = array<i64: 10240, 128>}, {pipeline_mode = #tpu.pipeline_mode<synchronous>, transform_indices = @transform_2, window_bounds = array<i64: 10240, 1>}, {pipeline_mode = #tpu.pipeline_mode<synchronous>, transform_indices = @transform_3, window_bounds = array<i64: 10240, 1>}, {pipeline_mode = #tpu.pipeline_mode<synchronous>, transform_indices = @transform_4, window_bounds = array<i64: 10240, 1>}, {pipeline_mode = #tpu.pipeline_mode<synchronous>, transform_indices = @transform_5, window_bounds = array<i64: 10240, 1>}, {transform_indices = @transform_6, window_bounds = array<i64: 1, 1, 256>}]} {
    %scan3A = arith.constant 0 : i32
    %scan3A_0 = arith.constant 0 : i32
    %scan3A_1 = arith.constant 64 : i32
    %scan3A_2 = arith.addi %scan3A_0, %scan3A_1 : i32
    %scan3A_3 = arith.constant 1 : i32
    %scan3A_4 = scf.for %scan3A_155 = %scan3A_0 to %scan3A_2 step %scan3A_3 iter_args(%scan3A_156 = %scan3A) -> (i32)  : i32 {
      %lt3A_157 = arith.cmpi slt, %scan3A_155, %arg0 : i32
      %get3A_158 = arith.constant 0 : index
      %get3A_159 = arith.index_cast %scan3A_155 : i32 to index
      %get3A_160 = memref.load %arg1[%get3A_158, %get3A_159] : memref<1x64xi32, #tpu.memory_space<smem>>
      %jit3A_161 = arith.constant 0 : i32
      %select_n3A_162 = arith.select %lt3A_157, %get3A_160, %jit3A_161 : i32
      %add3A_163 = arith.addi %scan3A_156, %select_n3A_162 : i32
      scf.yield %add3A_163 : i32
    }
    %scan3A_5 = arith.constant 64 : i32
    %get3A = arith.constant 0 : index
    %get3A_6 = arith.index_cast %arg0 : i32 to index
    %get3A_7 = memref.load %arg1[%get3A, %get3A_6] : memref<1x64xi32, #tpu.memory_space<smem>>
    %mul3A = arith.constant 4 : i32
    %mul3A_8 = arith.muli %mul3A, %get3A_7 : i32
    %add3A = arith.constant 4 : i32
    %add3A_9 = arith.addi %mul3A_8, %add3A : i32
    %jit3A = arith.constant 5 : i32
    %div3A = arith.divsi %add3A_9, %jit3A : i32
    %sign3A = arith.constant 0 : i32
    %sign3A_10 = arith.cmpi sgt, %add3A_9, %sign3A : i32
    %sign3A_11 = arith.extui %sign3A_10 : i1 to i32
    %sign3A_12 = arith.constant 0 : i32
    %sign3A_13 = arith.cmpi slt, %add3A_9, %sign3A_12 : i32
    %sign3A_14 = arith.extui %sign3A_13 : i1 to i32
    %sign3A_15 = arith.subi %sign3A_11, %sign3A_14 : i32
    %sign3A_16 = arith.constant 0 : i32
    %sign3A_17 = arith.cmpi sgt, %jit3A, %sign3A_16 : i32
    %sign3A_18 = arith.extui %sign3A_17 : i1 to i32
    %sign3A_19 = arith.constant 0 : i32
    %sign3A_20 = arith.cmpi slt, %jit3A, %sign3A_19 : i32
    %sign3A_21 = arith.extui %sign3A_20 : i1 to i32
    %sign3A_22 = arith.subi %sign3A_18, %sign3A_21 : i32
    %ne3A = arith.cmpi ne, %sign3A_15, %sign3A_22 : i32
    %rem3A = arith.remsi %add3A_9, %jit3A : i32
    %ne3A_23 = arith.constant 0 : i32
    %ne3A_24 = arith.cmpi ne, %rem3A, %ne3A_23 : i32
    %and3A = arith.andi %ne3A, %ne3A_24 : i1
    %sub3A = arith.constant 1 : i32
    %sub3A_25 = arith.subi %div3A, %sub3A : i32
    %select_n3A = arith.select %and3A, %sub3A_25, %div3A : i32
    %max3A = arith.constant 1 : i32
    %max3A_26 = arith.maxsi %select_n3A, %max3A : i32
    %mul3A_27 = arith.constant 4 : i32
    %mul3A_28 = arith.muli %mul3A_27, %max3A_26 : i32
    %add3A_29 = arith.constant 4 : i32
    %add3A_30 = arith.addi %mul3A_28, %add3A_29 : i32
    %jit3A_31 = arith.constant 5 : i32
    %div3A_32 = arith.divsi %add3A_30, %jit3A_31 : i32
    %sign3A_33 = arith.constant 0 : i32
    %sign3A_34 = arith.cmpi sgt, %add3A_30, %sign3A_33 : i32
    %sign3A_35 = arith.extui %sign3A_34 : i1 to i32
    %sign3A_36 = arith.constant 0 : i32
    %sign3A_37 = arith.cmpi slt, %add3A_30, %sign3A_36 : i32
    %sign3A_38 = arith.extui %sign3A_37 : i1 to i32
    %sign3A_39 = arith.subi %sign3A_35, %sign3A_38 : i32
    %sign3A_40 = arith.constant 0 : i32
    %sign3A_41 = arith.cmpi sgt, %jit3A_31, %sign3A_40 : i32
    %sign3A_42 = arith.extui %sign3A_41 : i1 to i32
    %sign3A_43 = arith.constant 0 : i32
    %sign3A_44 = arith.cmpi slt, %jit3A_31, %sign3A_43 : i32
    %sign3A_45 = arith.extui %sign3A_44 : i1 to i32
    %sign3A_46 = arith.subi %sign3A_42, %sign3A_45 : i32
    %ne3A_47 = arith.cmpi ne, %sign3A_39, %sign3A_46 : i32
    %rem3A_48 = arith.remsi %add3A_30, %jit3A_31 : i32
    %ne3A_49 = arith.constant 0 : i32
    %ne3A_50 = arith.cmpi ne, %rem3A_48, %ne3A_49 : i32
    %and3A_51 = arith.andi %ne3A_47, %ne3A_50 : i1
    %sub3A_52 = arith.constant 1 : i32
    %sub3A_53 = arith.subi %div3A_32, %sub3A_52 : i32
    %select_n3A_54 = arith.select %and3A_51, %sub3A_53, %div3A_32 : i32
    %max3A_55 = arith.constant 1 : i32
    %max3A_56 = arith.maxsi %select_n3A_54, %max3A_55 : i32
    %jit3A_57 = arith.constant 8 : i32
    %div3A_58 = arith.divsi %scan3A_4, %jit3A_57 : i32
    %sign3A_59 = arith.constant 0 : i32
    %sign3A_60 = arith.cmpi sgt, %scan3A_4, %sign3A_59 : i32
    %sign3A_61 = arith.extui %sign3A_60 : i1 to i32
    %sign3A_62 = arith.constant 0 : i32
    %sign3A_63 = arith.cmpi slt, %scan3A_4, %sign3A_62 : i32
    %sign3A_64 = arith.extui %sign3A_63 : i1 to i32
    %sign3A_65 = arith.subi %sign3A_61, %sign3A_64 : i32
    %sign3A_66 = arith.constant 0 : i32
    %sign3A_67 = arith.cmpi sgt, %jit3A_57, %sign3A_66 : i32
    %sign3A_68 = arith.extui %sign3A_67 : i1 to i32
    %sign3A_69 = arith.constant 0 : i32
    %sign3A_70 = arith.cmpi slt, %jit3A_57, %sign3A_69 : i32
    %sign3A_71 = arith.extui %sign3A_70 : i1 to i32
    %sign3A_72 = arith.subi %sign3A_68, %sign3A_71 : i32
    %ne3A_73 = arith.cmpi ne, %sign3A_65, %sign3A_72 : i32
    %rem3A_74 = arith.remsi %scan3A_4, %jit3A_57 : i32
    %ne3A_75 = arith.constant 0 : i32
    %ne3A_76 = arith.cmpi ne, %rem3A_74, %ne3A_75 : i32
    %and3A_77 = arith.andi %ne3A_73, %ne3A_76 : i1
    %sub3A_78 = arith.constant 1 : i32
    %sub3A_79 = arith.subi %div3A_58, %sub3A_78 : i32
    %select_n3A_80 = arith.select %and3A_77, %sub3A_79, %div3A_58 : i32
    %mul3A_81 = arith.constant 8 : i32
    %mul3A_82 = arith.muli %select_n3A_80, %mul3A_81 : i32
    %min3A = arith.constant 8960 : i32
    %min3A_83 = arith.minsi %mul3A_82, %min3A : i32
    %get3A_84 = arith.index_cast %min3A_83 : i32 to index
    %get3A_85 = arith.constant 0 : index
    %get3A_86 = vector.load %arg2[%get3A_84, %get3A_85] : memref<10240x128xf32, #tpu.memory_space<vmem>>, vector<1280x128xf32>
    %get3A_87 = arith.index_cast %min3A_83 : i32 to index
    %get3A_88 = arith.constant 0 : index
    %get3A_89 = vector.load %arg3[%get3A_87, %get3A_88] : memref<10240x1xf32, #tpu.memory_space<vmem>>, vector<1280x1xf32>
    %get3A_90 = arith.index_cast %min3A_83 : i32 to index
    %get3A_91 = arith.constant 0 : index
    %get3A_92 = vector.load %arg4[%get3A_90, %get3A_91] : memref<10240x1xf32, #tpu.memory_space<vmem>>, vector<1280x1xf32>
    %get3A_93 = arith.index_cast %min3A_83 : i32 to index
    %get3A_94 = arith.constant 0 : index
    %get3A_95 = vector.load %arg5[%get3A_93, %get3A_94] : memref<10240x1xf32, #tpu.memory_space<vmem>>, vector<1280x1xf32>
    %get3A_96 = arith.index_cast %min3A_83 : i32 to index
    %get3A_97 = arith.constant 0 : index
    %get3A_98 = vector.load %arg6[%get3A_96, %get3A_97] : memref<10240x1xf32, #tpu.memory_space<vmem>>, vector<1280x1xf32>
    %iota3A = tpu.iota {dimensions = array<i32: 0>} : vector<1280x1xi32>
    %add3A_99 = vector.broadcast %min3A_83 : i32 to vector<1280x1xi32>
    %add3A_100 = arith.addi %add3A_99, %iota3A : vector<1280x1xi32>
    %ge3A = vector.broadcast %scan3A_4 : i32 to vector<1280x1xi32>
    %ge3A_101 = arith.cmpi sge, %add3A_100, %ge3A : vector<1280x1xi32>
    %add3A_102 = arith.addi %scan3A_4, %get3A_7 : i32
    %lt3A = vector.broadcast %add3A_102 : i32 to vector<1280x1xi32>
    %lt3A_103 = arith.cmpi slt, %add3A_100, %lt3A : vector<1280x1xi32>
    %and3A_104 = arith.andi %ge3A_101, %lt3A_103 : vector<1280x1xi1>
    %mul3A_105 = vector.broadcast %get3A_89 : vector<1280x1xf32> to vector<1280x128xf32>
    %mul3A_106 = arith.mulf %get3A_86, %mul3A_105 : vector<1280x128xf32>
    %gt3A = arith.constant 0.000000e+00 : f32
    %gt3A_107 = vector.broadcast %gt3A : f32 to vector<1280x1xf32>
    %gt3A_108 = arith.cmpf ogt, %get3A_92, %gt3A_107 : vector<1280x1xf32>
    %and3A_109 = arith.andi %and3A_104, %gt3A_108 : vector<1280x1xi1>
    %jit3A_110 = arith.constant 0xFF800000 : f32
    %broadcast_in_dim3A = vector.shape_cast %and3A_109 : vector<1280x1xi1> to vector<1280x1xi1>
    %broadcast_in_dim3A_111 = vector.broadcast %broadcast_in_dim3A : vector<1280x1xi1> to vector<1280x128xi1>
    %broadcast_in_dim3A_112 = vector.broadcast %jit3A_110 : f32 to vector<1280x128xf32>
    %select_n3A_113 = arith.select %broadcast_in_dim3A_111, %mul3A_106, %broadcast_in_dim3A_112 : vector<1280x128xi1>, vector<1280x128xf32>
    %reduce_max3A = arith.constant dense<0xFF800000> : vector<128xf32>
    %reduce_max3A_114 = vector.multi_reduction <maximumf>, %select_n3A_113, %reduce_max3A [0] : vector<1280x128xf32> to vector<128xf32>
    %broadcast_in_dim3A_115 = vector.shape_cast %reduce_max3A_114 : vector<128xf32> to vector<1x128xf32>
    %jit3A_116 = arith.constant 0.000000e+00 : f32
    %broadcast_in_dim3A_117 = vector.shape_cast %and3A_109 : vector<1280x1xi1> to vector<1280x1xi1>
    %broadcast_in_dim3A_118 = vector.broadcast %broadcast_in_dim3A_117 : vector<1280x1xi1> to vector<1280x128xi1>
    %broadcast_in_dim3A_119 = vector.broadcast %jit3A_116 : f32 to vector<1280x128xf32>
    %select_n3A_120 = arith.select %broadcast_in_dim3A_118, %mul3A_106, %broadcast_in_dim3A_119 : vector<1280x128xi1>, vector<1280x128xf32>
    %reduce_sum3A = arith.constant dense<0.000000e+00> : vector<128xf32>
    %reduce_sum3A_121 = vector.multi_reduction <add>, %select_n3A_120, %reduce_sum3A [0] : vector<1280x128xf32> to vector<128xf32>
    %broadcast_in_dim3A_122 = vector.shape_cast %reduce_sum3A_121 : vector<128xf32> to vector<1x128xf32>
    %convert_element_type3A = arith.sitofp %max3A_26 : i32 to f32
    %div3A_123 = vector.broadcast %convert_element_type3A : f32 to vector<1x128xf32>
    %div3A_124 = arith.divf %broadcast_in_dim3A_122, %div3A_123 : vector<1x128xf32>
    %mul3A_125 = vector.broadcast %get3A_95 : vector<1280x1xf32> to vector<1280x128xf32>
    %mul3A_126 = arith.mulf %mul3A_106, %mul3A_125 : vector<1280x128xf32>
    %gt3A_127 = arith.constant 0.000000e+00 : f32
    %gt3A_128 = vector.broadcast %gt3A_127 : f32 to vector<1280x1xf32>
    %gt3A_129 = arith.cmpf ogt, %get3A_98, %gt3A_128 : vector<1280x1xf32>
    %and3A_130 = arith.andi %and3A_104, %gt3A_129 : vector<1280x1xi1>
    %jit3A_131 = arith.constant 0xFF800000 : f32
    %broadcast_in_dim3A_132 = vector.shape_cast %and3A_130 : vector<1280x1xi1> to vector<1280x1xi1>
    %broadcast_in_dim3A_133 = vector.broadcast %broadcast_in_dim3A_132 : vector<1280x1xi1> to vector<1280x128xi1>
    %broadcast_in_dim3A_134 = vector.broadcast %jit3A_131 : f32 to vector<1280x128xf32>
    %select_n3A_135 = arith.select %broadcast_in_dim3A_133, %mul3A_126, %broadcast_in_dim3A_134 : vector<1280x128xi1>, vector<1280x128xf32>
    %reduce_max3A_136 = arith.constant dense<0xFF800000> : vector<128xf32>
    %reduce_max3A_137 = vector.multi_reduction <maximumf>, %select_n3A_135, %reduce_max3A_136 [0] : vector<1280x128xf32> to vector<128xf32>
    %broadcast_in_dim3A_138 = vector.shape_cast %reduce_max3A_137 : vector<128xf32> to vector<1x128xf32>
    %jit3A_139 = arith.constant 0.000000e+00 : f32
    %broadcast_in_dim3A_140 = vector.shape_cast %and3A_130 : vector<1280x1xi1> to vector<1280x1xi1>
    %broadcast_in_dim3A_141 = vector.broadcast %broadcast_in_dim3A_140 : vector<1280x1xi1> to vector<1280x128xi1>
    %broadcast_in_dim3A_142 = vector.broadcast %jit3A_139 : f32 to vector<1280x128xf32>
    %select_n3A_143 = arith.select %broadcast_in_dim3A_141, %mul3A_126, %broadcast_in_dim3A_142 : vector<1280x128xi1>, vector<1280x128xf32>
    %reduce_sum3A_144 = arith.constant dense<0.000000e+00> : vector<128xf32>
    %reduce_sum3A_145 = vector.multi_reduction <add>, %select_n3A_143, %reduce_sum3A_144 [0] : vector<1280x128xf32> to vector<128xf32>
    %broadcast_in_dim3A_146 = vector.shape_cast %reduce_sum3A_145 : vector<128xf32> to vector<1x128xf32>
    %convert_element_type3A_147 = arith.sitofp %max3A_56 : i32 to f32
    %div3A_148 = vector.broadcast %convert_element_type3A_147 : f32 to vector<1x128xf32>
    %div3A_149 = arith.divf %broadcast_in_dim3A_146, %div3A_148 : vector<1x128xf32>
    %add3A_150 = arith.addf %broadcast_in_dim3A_115, %broadcast_in_dim3A_138 : vector<1x128xf32>
    %add3A_151 = arith.addf %div3A_124, %div3A_149 : vector<1x128xf32>
    %concatenate3A = tpu.concatenate %add3A_150, %add3A_151 in 1 : vector<1x128xf32>, vector<1x128xf32> -> vector<1x256xf32>
    %reshape3A = vector.shape_cast %concatenate3A : vector<1x256xf32> to vector<1x1x256xf32>
    %swap3A = arith.constant 0 : index
    %swap3A_152 = arith.constant 0 : index
    %swap3A_153 = arith.constant 0 : index
    %swap3A_154 = vector.load %arg7[%swap3A, %swap3A_152, %swap3A_153] : memref<1x1x256xf32, #tpu.memory_space<vmem>>, vector<1x1x256xf32>
    tpu.vector_store %arg7[%swap3A, %swap3A_152, %swap3A_153], %reshape3A {strides = array<i32>} : memref<1x1x256xf32, #tpu.memory_space<vmem>>, vector<1x1x256xf32>,
    return
  }
  func.func @transform_0(%arg0: i32) -> (i32, i32) {
    %c0_i32 = arith.constant 0 : i32
    %c0_i32_0 = arith.constant 0 : i32
    %c0_i32_1 = arith.constant 0 : i32
    return %c0_i32, %c0_i32_0 : i32, i32
  }
  func.func @transform_1(%arg0: i32) -> (i32, i32) {
    %c0_i32 = arith.constant 0 : i32
    %c0_i32_0 = arith.constant 0 : i32
    %c0_i32_1 = arith.constant 0 : i32
    return %c0_i32, %c0_i32_0 : i32, i32
  }
  func.func @transform_2(%arg0: i32) -> (i32, i32) {
    %c0_i32 = arith.constant 0 : i32
    %c0_i32_0 = arith.constant 0 : i32
    %c0_i32_1 = arith.constant 0 : i32
    return %c0_i32, %c0_i32_0 : i32, i32
  }
  func.func @transform_3(%arg0: i32) -> (i32, i32) {
    %c0_i32 = arith.constant 0 : i32
    %c0_i32_0 = arith.constant 0 : i32
    %c0_i32_1 = arith.constant 0 : i32
    return %c0_i32, %c0_i32_0 : i32, i32
  }
  func.func @transform_4(%arg0: i32) -> (i32, i32) {
    %c0_i32 = arith.constant 0 : i32
    %c0_i32_0 = arith.constant 0 : i32
    %c0_i32_1 = arith.constant 0 : i32
    return %c0_i32, %c0_i32_0 : i32, i32
  }
  func.func @transform_5(%arg0: i32) -> (i32, i32) {
    %c0_i32 = arith.constant 0 : i32
    %c0_i32_0 = arith.constant 0 : i32
    %c0_i32_1 = arith.constant 0 : i32
    return %c0_i32, %c0_i32_0 : i32, i32
  }
  func.func @transform_6(%arg0: i32) -> (i32, i32, i32) {
    %c0_i32 = arith.constant 0 : i32
    %c0_i32_0 = arith.constant 0 : i32
    %c0_i32_1 = arith.constant 0 : i32
    return %arg0, %c0_i32, %c0_i32_0 : i32, i32, i32
  }
}

module attributes {stable_mosaic.version = 14 : i64} {
  func.func @_mlp_body(%arg0: memref<64x256xf32, #tpu.memory_space<vmem>>, %arg1: memref<64x256xf32, #tpu.memory_space<vmem>>, %arg2: memref<1x64xf32, #tpu.memory_space<vmem>>, %arg3: memref<1x64xf32, #tpu.memory_space<vmem>>, %arg4: memref<1x1xf32, #tpu.memory_space<smem>>, %arg5: memref<64x1xf32, #tpu.memory_space<vmem>>) attributes {dimension_semantics = [], scalar_prefetch = 0 : i64, scratch_operands = 0 : i64, tpu.core_type = #tpu.core_type<tc>} {
    %get3A = arith.constant 0 : index
    %get3A_0 = arith.constant 0 : index
    %get3A_1 = vector.load %arg0[%get3A, %get3A_0] : memref<64x256xf32, #tpu.memory_space<vmem>>, vector<64x256xf32>
    %get3A_2 = arith.constant 0 : index
    %get3A_3 = arith.constant 0 : index
    %get3A_4 = vector.load %arg1[%get3A_2, %get3A_3] : memref<64x256xf32, #tpu.memory_space<vmem>>, vector<64x256xf32>
    %dot_general3A = arith.constant dense<0.000000e+00> : vector<64x64xf32>
    %dot_general3A_5 = tpu.matmul %get3A_1, %get3A_4, %dot_general3A {dimension_numbers = #tpu.dot_dimension_numbers<[1], [1], [0], [0], [0, 0, 1, 0], [], []>, transpose_lhs_hint = false} : vector<64x256xf32>, vector<64x256xf32>, vector<64x64xf32> -> vector<64x64xf32>
    %get3A_6 = arith.constant 0 : index
    %get3A_7 = arith.constant 0 : index
    %get3A_8 = vector.load %arg2[%get3A_6, %get3A_7] : memref<1x64xf32, #tpu.memory_space<vmem>>, vector<1x64xf32>
    %add3A = vector.broadcast %get3A_8 : vector<1x64xf32> to vector<64x64xf32>
    %add3A_9 = arith.addf %dot_general3A_5, %add3A : vector<64x64xf32>
    %max3A = arith.constant 0.000000e+00 : f32
    %max3A_10 = vector.broadcast %max3A : f32 to vector<64x64xf32>
    %max3A_11 = arith.maximumf %add3A_9, %max3A_10 : vector<64x64xf32>
    %get3A_12 = arith.constant 0 : index
    %get3A_13 = arith.constant 0 : index
    %get3A_14 = vector.load %arg3[%get3A_12, %get3A_13] : memref<1x64xf32, #tpu.memory_space<vmem>>, vector<1x64xf32>
    %mul3A = vector.broadcast %get3A_14 : vector<1x64xf32> to vector<64x64xf32>
    %mul3A_15 = arith.mulf %max3A_11, %mul3A : vector<64x64xf32>
    %reduce_sum3A = arith.constant dense<0.000000e+00> : vector<64xf32>
    %reduce_sum3A_16 = vector.multi_reduction <add>, %mul3A_15, %reduce_sum3A [1] : vector<64x64xf32> to vector<64xf32>
    %broadcast_in_dim3A = vector.shape_cast %reduce_sum3A_16 : vector<64xf32> to vector<64x1xf32>
    %get3A_17 = arith.constant 0 : index
    %get3A_18 = arith.constant 0 : index
    %get3A_19 = memref.load %arg4[%get3A_17, %get3A_18] : memref<1x1xf32, #tpu.memory_space<smem>>
    %add3A_20 = vector.broadcast %get3A_19 : f32 to vector<64x1xf32>
    %add3A_21 = arith.addf %broadcast_in_dim3A, %add3A_20 : vector<64x1xf32>
    %logistic3A = arith.negf %add3A_21 : vector<64x1xf32>
    %logistic3A_22 = math.exp %logistic3A : vector<64x1xf32>
    %logistic3A_23 = arith.constant 1.000000e+00 : f32
    %logistic3A_24 = vector.broadcast %logistic3A_23 : f32 to vector<64x1xf32>
    %logistic3A_25 = arith.addf %logistic3A_24, %logistic3A_22 : vector<64x1xf32>
    %logistic3A_26 = arith.divf %logistic3A_24, %logistic3A_25 : vector<64x1xf32>
    %swap3A = arith.constant 0 : index
    %swap3A_27 = arith.constant 0 : index
    %swap3A_28 = vector.load %arg5[%swap3A, %swap3A_27] : memref<64x1xf32, #tpu.memory_space<vmem>>, vector<64x1xf32>
    tpu.vector_store %arg5[%swap3A, %swap3A_27], %logistic3A_26 {strides = array<i32>} : memref<64x1xf32, #tpu.memory_space<vmem>>, vector<64x1xf32>,
    return
  }
}

</mosaic_0001>

<sc_bundles>
// kernel: kernel.12.cloned.1.call-start
scs
__scs_entry_jumppad:
0x0: {  	(pc) =	sbr.rel $0x88, $3  }
0x1: {  	(tag) =	ssettag $0x0;
	lr =	simm.s32 $0x1  }
0x2: {  	[smem:$0x3F94] =	sst lr;
	_ =	strace $0xD0000000  }
0x3: {  	_ = 	snop  }
0x4: {  	_ = 	snop  }
0x5: {  	_ = 	snop  }
0x6: {  	_ = 	snop  }
0x7: {  	_ = 	snop  }
__scs_overlays_trampoline_lowered:
0x8: {  	[smem:$0x3FA3] =	sst s0  }
0x9: {  	[smem:$0x3FA4] =	sst s1  }
0xa: {  	[smem:$0x3FA5] =	sst s2  }
0xb: {  	[smem:$0x3FA6] =	sst s3  }
0xc: {  	[smem:$0x3FA7] =	sst s4  }
0xd: {  	[smem:$0x3FA8] =	sst s5  }
0xe: {  	[smem:$0x3FA9] =	sst s6  }
0xf: {  	[smem:$0x3FAA] =	sst s7  }
0x10: {  	[smem:$0x3FAB] =	sst s8  }
0x11: {  	[smem:$0x3FAC] =	sst s9;
	s0 =	simm.s32 @!p0 $0x0  }
0x12: {  	s1 =	sld [smem:$0x3F92];
	s0 =	simm.s32 @p0 $0x1  }
0x13: {  	[smem:$0x3FAD] =	sst s0;
	s0 =	simm.s32 @!p1 $0x0  }
0x14: {  	s2 =	sld [smem:$0x3F91];
	s0 =	simm.s32 @p1 $0x1  }
0x15: {  	[smem:$0x3FAE] =	sst s0;
	s0 =	simm.s32 @!p2 $0x0  }
0x16: {  	s3 =	sld [smem:$0x3FDB];
	s0 =	simm.s32 @p2 $0x1  }
0x17: {  	s4 =	simm.s32 $0x1BF5;
	[smem:$0x3FB0] =	sst s0  }
0x18: {  	s0 =	sld [smem:$0x3F93];
	_ =	swait.ge [sflag:s4], $0x0  }
0x19: {  	s7 =	sld [smem:$0x3F94]  }
0x1a: {  	s8 =	sadd.s32 $0xFFFFE003, lr  }
0x1b: {  	s9 =	sadd.s32 $0xFFFFFEF7, lr;
	s5 =	simm.s32 $0xFFFFFFFF;
	p2 =	slt.u32 s8, $0xFFFFF086  }
0x1c: {  	p1 =	slt.u32 s9, $0xF7A;
	s5 =	simm.s32 @!p2 $0x0  }
0x1d: {  	s5 =	simm.s32 @p1 $0x1;
	p0 =	seq.s32 s7, s2  }
0x1e: {  	s7 =	smul.u32 @!p0 $0xF7A, s2;
	p2 =	seq.s32 @!p0 s5, $0x0  }
0x1f: {  	s9 =	smul.u32 $0xF7A, s1;
	s8 =	simm.s32 @!p0 $0x1BF5;
	p2 =	por !p2, p0  }
0x20: {  	[sflag:s8] =	ssyncset.s32 @!p0 $0xFFFFF086;
	s6 =	sadd.s32 @!p0 s3, s7;
	s7 =	simm.s32 @!p0 $0x108  }
0x21: {  	s3 =	sadd.s32 s3, s9;
	s6 =	sadd.s32 @!p0 $0x88, s6;
	s7 =	simm.s32 @p2 $0x1082  }
0x22: {  	[simem:s7], [sflag:s8] =	dma.local @!p0 [hbm:s6], $0xF7A  }
0x23: {  	s9 =	sor.u32 $0xD0000000, s2;
	s6 =	simm.s32 $0x108;
	_ =	swait.ge @!p0 [sflag:s8], $0x0  }
0x24: {  	s3 =	sadd.s32 $0x88, s3;
	s6 =	simm.s32 @!p1 $0x1082;
	[sflag:s4] =	ssyncset.s32 $0xFFFFF086  }
0x25: {  	[simem:s6], [sflag:s4] =	dma.local [hbm:s3], $0xF7A  }
0x26: {  	[smem:$0x3F94] =	sst s1;
	(tag) =	ssettag s2;
	_ =	strace s9  }
0x27: {  	s1 =	sld [smem:$0x3FA4]  }
0x28: {  	s2 =	sld [smem:$0x3FA5]  }
0x29: {  	s4 =	sld [smem:$0x3FA7]  }
0x2a: {  	p0 =	seq.s32 s5, $0x0;
	s5 =	sld [smem:$0x3FA8]  }
0x2b: {  	s6 =	sld [smem:$0x3FA9]  }
0x2c: {  	s7 =	sld [smem:$0x3FAA]  }
0x2d: {  	s3 =	simm.s32 $0x108;
	s8 =	sld [smem:$0x3FAB]  }
0x2e: {  	s3 =	simm.s32 @!p0 $0x1082;
	s9 =	sld [smem:$0x3FAC]  }
0x2f: {  	lr =	sadd.s32 s0, s3;
	s0 =	sld [smem:$0x3FA3]  }
0x30: {  	s3 =	sld [smem:$0x3FA6]  }
0x31: {  	[smem:$0x3FAF] =	sst s10  }
0x32: {  	s10 =	sld [smem:$0x3FAD];
	_ =	sdelay $0x3  }
0x33: {  	p0 =	seq.s32 s10, $0x1;
	s10 =	sld [smem:$0x3FAF];
	_ =	sdelay $0x3  }
0x34: {  	[smem:$0x3FAF] =	sst s10  }
0x35: {  	s10 =	sld [smem:$0x3FAE];
	_ =	sdelay $0x3  }
0x36: {  	p1 =	seq.s32 s10, $0x1;
	s10 =	sld [smem:$0x3FAF];
	_ =	sdelay $0x3  }
0x37: {  	[smem:$0x3FAF] =	sst s10  }
0x38: {  	s10 =	sld [smem:$0x3FB0]  }
0x39: {  	_ = 	snop;
	(pc) =	sbr.ind lr, $3  }
0x3a: {  	_ = 	snop  }
0x3b: {  	_ = 	snop  }
0x3c: {  	p2 =	seq.s32 s10, $0x1;
	s10 =	sld [smem:$0x3FAF]  }
0x3d: {  	_ =	shalt  }
0x3e: {  	_ =	shalt  }
0x3f: {  	_ =	shalt  }
0x40: {  	_ =	shalt  }
0x41: {  	_ =	shalt  }
0x42: {  	_ =	shalt  }
0x43: {  	_ =	shalt  }
0x44: {  	_ =	shalt  }
0x45: {  	_ =	shalt  }
0x46: {  	_ =	shalt  }
0x47: {  	_ =	shalt  }
0x48: {  	_ =	shalt  }
0x49: {  	_ =	shalt  }
0x4a: {  	_ =	shalt  }
0x4b: {  	_ =	shalt  }
0x4c: {  	_ =	shalt  }
0x4d: {  	_ =	shalt  }
0x4e: {  	_ =	shalt  }
0x4f: {  	_ =	shalt  }
0x50: {  	_ =	shalt  }
0x51: {  	_ =	shalt  }
0x52: {  	_ =	shalt  }
0x53: {  	_ =	shalt  }
0x54: {  	_ =	shalt  }
0x55: {  	_ =	shalt  }
0x56: {  	_ =	shalt  }
0x57: {  	_ =	shalt  }
0x58: {  	_ =	shalt  }
0x59: {  	_ =	shalt  }
0x5a: {  	_ =	shalt  }
0x5b: {  	_ =	shalt  }
0x5c: {  	_ =	shalt  }
0x5d: {  	_ =	shalt  }
0x5e: {  	_ =	shalt  }
0x5f: {  	_ =	shalt  }
0x60: {  	_ =	shalt  }
0x61: {  	_ =	shalt  }
0x62: {  	_ =	shalt  }
0x63: {  	_ =	shalt  }
0x64: {  	_ =	shalt  }
0x65: {  	_ =	shalt  }
0x66: {  	_ =	shalt  }
0x67: {  	_ =	shalt  }
0x68: {  	_ =	shalt  }
0x69: {  	_ =	shalt  }
0x6a: {  	_ =	shalt  }
0x6b: {  	_ =	shalt  }
0x6c: {  	_ =	shalt  }
0x6d: {  	_ =	shalt  }
0x6e: {  	_ =	shalt  }
0x6f: {  	_ =	shalt  }
0x70: {  	_ =	shalt  }
0x71: {  	_ =	shalt  }
0x72: {  	_ =	shalt  }
0x73: {  	_ =	shalt  }
0x74: {  	_ =	shalt  }
0x75: {  	_ =	shalt  }
0x76: {  	_ =	shalt  }
0x77: {  	_ =	shalt  }
0x78: {  	_ =	shalt  }
0x79: {  	_ =	shalt  }
0x7a: {  	_ =	shalt  }
0x7b: {  	_ =	shalt  }
0x7c: {  	_ =	shalt  }
0x7d: {  	_ =	shalt  }
0x7e: {  	_ =	shalt  }
0x7f: {  	_ =	shalt  }
0x80: {  	_ =	shalt  }
0x81: {  	_ =	shalt  }
0x82: {  	_ =	shalt  }
0x83: {  	_ =	shalt  }
0x84: {  	_ =	shalt  }
0x85: {  	_ =	shalt  }
0x86: {  	_ =	shalt  }
0x87: {  	_ =	shalt  }
.Lfunc_end0:
.L_simem_size_0:
called_computation.1_lowered:
.L_overlay_start_0:
0x88: {  	s2 =	sld [smem:$0x3FD9]  }
0x89: {  	s3 =	sld [smem:$0x3FFE];
	_ =	sdelay $0x1  }
0x8a: {  	s1 =	srdreg.scid  }
0x8b: {  	s0 =	sand.u32 $0x1, s1  }
0x8c: {  	s16 =	sshll.u32 s0, $0xA;
	s2 =	sadd.s32 s3, s2  }
0x8d: {  	s2 =	sadd.s32 s2, s16  }
0x8e: {  	[smem:$0x3FBB] =	sst s2  }
0x8f: {  	_ = 	snop  }
0x90: {  	(tm) =	ssettm $0x1  }
0x91: {  	s17 =	sld [smem:$0x3FFB];
	_ =	sdelay $0x3  }
0x92: {  	_ =	strace s17  }
0x93: {  	s2 =	sld [smem:$0x3FFC];
	_ =	sdelay $0x3  }
0x94: {  	_ =	strace s2  }
0x95: {  	s2 =	sld [smem:$0x3FFD];
	_ =	sdelay $0x3  }
0x96: {  	_ =	strace s2  }
0x97: {  	_ =	strace $0x8FFFFFFF  }
0x98: {  	s18 =	sld [smem:$0x3FDB];
	_ =	sdelay $0x1  }
0x99: {  	s19 =	simm.s32 $_scs_section_size  }
0x9a: {  	s4 =	simm.s32 $_size__tile_overlayer_lowered;
	s5 =	simm.s32 $_tile_overlayer_lowered  }
0x9b: {  	s22 =	simm.s32 $0x1BFF;
	s21 =	sshll.u32 s5, $0x1;
	s2 =	sadd.s32 s19, s18  }
0x9c: {  	s6 =	simm.s32 $0x0;
	s20 =	sshll.u32 s4, $0x1;
	s4 =	sadd.s32 s21, s2  }
0x9d: {  	[timem:s6], [sflag:s22] =	dma.local [hbm:s4], s20  }
0x9e: {  	_ =	swait.ge [sflag:s22], s20  }
0x9f: {  	s3 =	ssub.s32 $0x0, s20;
	[sflag:s22] =	ssyncset.done $0x0  }
0xa0: {  	[sflag:s22] =	ssyncadd.s32 s3;
	_ =	sdelay $0x1  }
0xa1: {  	s23 =	simm.s32 $0x1B8B  }
0xa2: {  	_ =	swait.ge [sflag:s23], $0x1  }
0xa3: {  	[sflag:s23] =	ssyncset.done $0x0  }
0xa4: {  	s25 =	simm.s32 $0x1B8E;
	s24 =	sld [smem:$0x3FFE];
	[sflag:s23] =	ssyncadd.s32 $0xFFFFFFFF  }
0xa5: {  	s26 =	simm.s32 $execute0_lowered;
	[smem:$0x3FD2] =	sst s25  }
0xa6: {  	s4 =	sshll.u32 s26, $0x1;
	_ =	strace $0x80000049;
	[dreg:$0x1] =	wrdreg $0xFFFFFFFF  }
0xa7: {  	s28 =	simm.s32 $_size_execute0_lowered;
	s2 =	sadd.s32 s2, s4;
	[dreg:$0x0] =	wrdreg $0x0  }
0xa8: {  	s4 =	sshll.u32 s28, $0x1;
	[dreg:$0x2] =	wrdreg s2  }
0xa9: {  	[dreg:$0x3] =	wrdreg s4  }
0xaa: {  	[dreg:$0x4] =	wrdreg $0xC0  }
0xab: {  	_ =	task [dreg:s6], $0x5FFFF  }
0xac: {  	[dreg:$0x1] =	wrdreg $0xFFFFFFFF  }
0xad: {  	[dreg:$0x0] =	wrdreg $0x60  }
0xae: {  	[dreg:$0x2] =	wrdreg s24  }
0xaf: {  	[dreg:$0x3] =	wrdreg $0x4A000  }
0xb0: {  	[dreg:$0x4] =	wrdreg $0x9  }
0xb1: {  	_ =	task.clear_ibuf [dreg:s6], $0x5FFFF;
	_ =	strace $0x90000049  }
0xb2: {  	s29 =	simm.s32 $0x9;
	_ =	strace $0x8000004B  }
0xb3: {  	_ =	swait.ge [sflag:s29], $0x1  }
0xb4: {  	[sflag:s29] =	ssyncadd.s32 $0xFFFFFFFF  }
0xb5: {  	_ =	strace $0x9000004B  }
0xb6: {  	_ =	sfence  }
0xb7: {  	s30 =	sld [smem:$0x0];
	_ =	sdelay $0x2  }
0xb8: {  	s31 =	sshll.u32 s1, $0xD;
	s1 =	sshrl.u32 s1, $0x2  }
0xb9: {  	s3 =	sand.u32 $0x4000, s31;
	s1 =	sadd.s32 s1, s30  }
0xba: {  	s0 =	sor.u32 s3, s0;
	s1 =	sshll.u32 s1, $0x11  }
0xbb: {  	s0 =	sor.u32 s1, s0  }
0xbc: {  	s0 =	sadd.s32 $0x8F2B, s0  }
0xbd: {  	[sflag:s0] =	ssyncadd.remote.s32 $0x1  }
0xbe: {  	_ =	sfence.sel $0xFFFF  }
0xbf: {  	[dreg:$0x0] =	wrdreg $0xFFFFFFFF;
	(pc) =	sbr.abs _section_cstart, $3  }
0xc0: {  	[dreg:$0x1] =	wrdreg $0xFFFFFFFF  }
0xc1: {  	_ =	task.clear_ibuf [dreg:s6], $0x2FFFF;
	_ =	strace $0x9FFFFFFF  }
0xc2: {  	(tm) =	ssettm $0x7FFFFFFF  }
0xc3: {  	_ =	shalt  }
tec
execute0_lowered:
.L_overlay_start_1:
0x0: {  	(tag) =	ssettag $0x1  }
0x1: {  	s7 =	rddreg [dreg:$0x0]  }
0x2: {  	s1 =	rddreg [dreg:$0x1]  }
0x3: {  	s0 =	rddreg [dreg:$0x2];
	s2 =	simm.s32 $0x0;
	s3 =	srdreg.scid  }
0x4: {  	s18 =	simm.s32 $0x100;
	s19 =	simm.s32 $0x1;
	s20 =	simm.s32 $0x4100  }
0x5: {  	s21 =	simm.s32 $0x4180;
	s22 =	simm.s32 $0x10;
	s23 =	simm.s32 $0x4200  }
0x6: {  	s24 =	simm.s32 $0x0;
	[smem:$0x7FF] =	sst s2;
	s8 =	sand.u32 $0x1, s3  }
0x7: {  	s4 =	sadd.s32 $0x2200, s7;
	s3 =	stileid.u32;
	s6 =	smul.u32 $0x140000, s8  }
0x8: {  	s14 =	sadd.s32 $0x34000, s7;
	s13 =	sadd.s32 $0x2A200, s7;
	s9 =	smul.u32 $0x14000, s3  }
0x9: {  	s5 =	sadd.s32 $0x3DE00, s7;
	_ =	strace $0x8000004A;
	s15 =	smul.u32 $0x50000, s3  }
0xa: {  	s10 =	sshll.u32 s3, $0x1;
	s26 =	ssub.s32 $0x2, s8;
	s30 =	smul.u32 $0x4E20, s3  }
0xb: {  	s31 =	sshll.u32 s3, $0x6;
	s16 =	smul.u32 $0x2710, s8;
	s10 =	sor.u32 s8, s10  }
0xc: {  	s12 =	sshrl.u32 s26, $0x1;
	s6 =	sadd.s32 s9, s6;
	s10 =	smul.u32 $0x2710, s10  }
0xd: {  	s12 =	ssub.s32 s26, s12;
	s28 =	sshrl.u32 s15, $0x2;
	s15 =	sadd.s32 s16, s30  }
0xe: {  	s16 =	simm.s32 $0x2;
	s11 =	sshrl.u32 s6, $0x3;
	s6 =	sadd.s32 $0x40600, s7  }
0xf: {  	s17 =	sadd.s32 s28, s1;
	s12 =	smax.u32 s12, $0x1;
	s15 =	sshrl.u32 s15, $0x3  }
0x10: {  	s11 =	sadd.s32 s11, s7;
	s29 =	sshrl.u32 s10, $0x3;
	s7 =	sor.u32 $0x1C02, s31  }
0x11: {  	s9 =	sadd.s32 $0x4E0, s29;
	s10 =	sadd.s32 $0x40E00, s11;
	s11 =	sadd.s32 $0x90E00, s11  }
0x12: {  	s8 =	sadd.s32 s14, s9;
	s9 =	sadd.s32 s13, s9;
	s13 =	sadd.s32 s15, s13  }
0x13: {  	s14 =	sadd.s32 s15, s14;
	s15 =	sshrl.u32 s17, $0x3;
	s17 =	simm.s32 $0x80  }
.LBB2_1:
0x14: {  	[spmem:s15], [sflag:s7] =	dma.local [hbm:s5], $0x2800  }
0x15: {  	_ =	swait.ge [sflag:s16], $0x2800  }
0x16: {  	[sflag:s16] =	ssyncset.done $0x0  }
0x17: {  	[sflag:s16] =	ssyncadd.s32 $0xFFFFD800  }
0x18: {  	s25 =	sadd.s32 $0x0, s14;
	[bflag:$0x0] =	sbarrier.arrive $0xFFFF  }
0x19: {  	[tilespmem:s2], [sflag:$0x2] =	stream.linear.gather [hbm4b:s25+s2], $0x80, $0x38;
	[tilespmem:$0x18A00] =	vst v63  }
0x1a: {  	_ =	swait.ge [sflag:s16], $0x80  }
0x1b: {  	[sflag:s16] =	ssyncset.done $0x0  }
0x1c: {  	s31 =	sadd.s32 $0x0, s13;
	[sflag:s16] =	ssyncadd.s32 $0xFFFFFF80  }
0x1d: {  	[tilespmem:s17], [sflag:$0x2] =	stream.linear.gather [hbm4b:s31+s2], $0x80, $0x38;
	[tilespmem:$0x18A00] =	vst v63  }
0x1e: {  	_ =	swait.ge [sflag:s16], $0x80  }
0x1f: {  	[sflag:s16] =	ssyncset.done $0x0  }
0x20: {  	[sflag:s16] =	ssyncadd.s32 $0xFFFFFF80  }
0x21: {  	[tilespmem:s18], [sflag:$0x1] =	stream.indirect.gather [hbm4b:s4+s17], $0x80, s2, s17, $0xb8;
	[tilespmem:$0x18A00] =	vst v63  }
0x22: {  	_ =	swait.ge [sflag:s19], $0x4000  }
0x23: {  	[sflag:s19] =	ssyncset.done $0x0  }
0x24: {  	[sflag:s19] =	ssyncadd.s32 $0xFFFFC000  }
0x25: {  	[spmem:s1] =	stream.indirect.scatter.add.f32 [tilespmem:s18], [sflag:$0x2], $0x80, s17, s17, $0xb8;
	[tilespmem:$0x18A00] =	vst v63  }
0x26: {  	_ =	swait.ge [sflag:s16], $0x4000  }
0x27: {  	s26 =	simm.s32 $0x20;
	s25 =	simm.s32 $0x10;
	[sflag:s16] =	ssyncset.done $0x0  }
.LBB2_2:
0x28: {  	s28 =	sadd.s32 s25, s14  }
0x29: {  	[sflag:s16] =	ssyncadd.s32 $0xFFFFC000;
	s29 =	smov.u32 s26;
	s30 =	sadd.s32 $0x10, s26  }
0x2a: {  	[tilespmem:s2], [sflag:$0x2] =	stream.linear.gather [hbm4b:s28+s2], $0x80, $0x38;
	[tilespmem:$0x18A00] =	vst v63  }
0x2b: {  	p0 =	sne.s32 s26, $0x4D0;
	_ =	swait.ge [sflag:s16], $0x80  }
0x2c: {  	[sflag:s16] =	ssyncset.done $0x0  }
0x2d: {  	s26 =	sadd.s32 s25, s13;
	s25 =	smov.u32 s29;
	[sflag:s16] =	ssyncadd.s32 $0xFFFFFF80  }
0x2e: {  	[tilespmem:s17], [sflag:$0x2] =	stream.linear.gather [hbm4b:s26+s2], $0x80, $0x38;
	[tilespmem:$0x18A00] =	vst v63  }
0x2f: {  	_ =	swait.ge [sflag:s16], $0x80  }
0x30: {  	[sflag:s16] =	ssyncset.done $0x0  }
0x31: {  	[sflag:s16] =	ssyncadd.s32 $0xFFFFFF80  }
0x32: {  	[tilespmem:s18], [sflag:$0x1] =	stream.indirect.gather [hbm4b:s4+s17], $0x80, s2, s17, $0xb8;
	[tilespmem:$0x18A00] =	vst v63  }
0x33: {  	_ =	swait.ge [sflag:s19], $0x4000  }
.Ltmp0:
0x34: {  	[sflag:s19] =	ssyncset.done $0x0;
	(pc) =	sbr.rel @p0 .LBB2_2-.Ltmp0, $4  }
0x35: {  	[sflag:s19] =	ssyncadd.s32 $0xFFFFC000  }
0x36: {  	[spmem:s1] =	stream.indirect.scatter.add.f32 [tilespmem:s18], [sflag:$0x2], $0x80, s17, s17, $0xb8;
	[tilespmem:$0x18A00] =	vst v63  }
0x37: {  	_ =	swait.ge [sflag:s16], $0x4000  }
0x38: {  	s26 =	smov.u32 s30;
	[sflag:s16] =	ssyncset.done $0x0  }
0x39: {  	s26 =	sadd.s32 s25, s14;
	[sflag:s16] =	ssyncadd.s32 $0xFFFFC000  }
0x3a: {  	[tilespmem:s2], [sflag:$0x2] =	stream.linear.gather [hbm4b:s26+s2], $0x80, $0x38;
	[tilespmem:$0x18A00] =	vst v63  }
0x3b: {  	_ =	swait.ge [sflag:s16], $0x80  }
0x3c: {  	[sflag:s16] =	ssyncset.done $0x0  }
0x3d: {  	s29 =	sadd.s32 s25, s13;
	[sflag:s16] =	ssyncadd.s32 $0xFFFFFF80  }
0x3e: {  	[tilespmem:s17], [sflag:$0x2] =	stream.linear.gather [hbm4b:s29+s2], $0x80, $0x38;
	[tilespmem:$0x18A00] =	vst v63  }
0x3f: {  	_ =	swait.ge [sflag:s16], $0x80  }
0x40: {  	[sflag:s16] =	ssyncset.done $0x0  }
0x41: {  	[sflag:s16] =	ssyncadd.s32 $0xFFFFFF80  }
0x42: {  	[tilespmem:s18], [sflag:$0x1] =	stream.indirect.gather [hbm4b:s4+s17], $0x80, s2, s17, $0xb8;
	[tilespmem:$0x18A00] =	vst v63  }
0x43: {  	_ =	swait.ge [sflag:s19], $0x4000  }
0x44: {  	[sflag:s19] =	ssyncset.done $0x0  }
0x45: {  	[sflag:s19] =	ssyncadd.s32 $0xFFFFC000  }
0x46: {  	[spmem:s1] =	stream.indirect.scatter.add.f32 [tilespmem:s18], [sflag:$0x2], $0x80, s17, s17, $0xb8;
	[tilespmem:$0x18A00] =	vst v63  }
0x47: {  	_ =	swait.ge [sflag:s16], $0x4000  }
0x48: {  	[sflag:s16] =	ssyncset.done $0x0  }
0x49: {  	s30 =	simm.s32 $0x0;
	[sflag:s16] =	ssyncadd.s32 $0xFFFFC000  }
0x4a: {  	[tilespmem:s20], [sflag:$0x2] =	stream.linear.gather [hbm4b:s8+s30], $0x10, $0x38;
	[tilespmem:$0x18A00] =	vst v63  }
0x4b: {  	_ =	swait.ge [sflag:s16], $0x10  }
0x4c: {  	[sflag:s16] =	ssyncset.done $0x0  }
0x4d: {  	[sflag:s16] =	ssyncadd.s32 $0xFFFFFFF0  }
0x4e: {  	[tilespmem:s21], [sflag:$0x2] =	stream.linear.gather [hbm4b:s9+s30], $0x10, $0x38;
	[tilespmem:$0x18A00] =	vst v63  }
0x4f: {  	_ =	swait.ge [sflag:s16], $0x10  }
0x50: {  	[sflag:s16] =	ssyncset.done $0x0  }
0x51: {  	[sflag:s16] =	ssyncadd.s32 $0xFFFFFFF0  }
0x52: {  	[tilespmem:s23], [sflag:$0x1] =	stream.indirect.gather [hbm4b:s4+s22], $0x80, s20, s22, $0xb8;
	[tilespmem:$0x18A00] =	vst v63  }
0x53: {  	_ =	swait.ge [sflag:s19], $0x800  }
0x54: {  	[sflag:s19] =	ssyncset.done $0x0  }
0x55: {  	[sflag:s19] =	ssyncadd.s32 $0xFFFFF800  }
0x56: {  	[spmem:s1] =	stream.indirect.scatter.add.f32 [tilespmem:s23], [sflag:$0x2], $0x80, s21, s22, $0xb8;
	[tilespmem:$0x18A00] =	vst v63  }
0x57: {  	_ =	swait.ge [sflag:s16], $0x800  }
0x58: {  	[sflag:s16] =	ssyncset.done $0x0  }
0x59: {  	[sflag:s16] =	ssyncadd.s32 $0xFFFFF800  }
0x5a: {  	[bflag:$0x0] =	sbarrier.arrive $0xFFFF  }
0x5b: {  	[hbm:s10], [sflag:s7] =	dma.local [spmem:s15], $0x2800  }
0x5c: {  	_ =	swait.ge [sflag:s16], $0x2800  }
0x5d: {  	[sflag:s16] =	ssyncset.done $0x0  }
0x5e: {  	[sflag:s16] =	ssyncadd.s32 $0xFFFFD800  }
0x5f: {  	[bflag:$0x0] =	sbarrier.arrive $0xFFFF  }
0x60: {  	[spmem:s15], [sflag:s7] =	dma.local [hbm:s5], $0x2800  }
0x61: {  	_ =	swait.ge [sflag:s16], $0x2800  }
0x62: {  	[sflag:s16] =	ssyncset.done $0x0  }
0x63: {  	[sflag:s16] =	ssyncadd.s32 $0xFFFFD800  }
0x64: {  	[tilespmem:s18], [sflag:$0x2] =	stream.linear.gather [hbm4b:s6+s30], $0x4000, $0x38;
	[tilespmem:$0x18A00] =	vst v63  }
0x65: {  	_ =	swait.ge [sflag:s16], $0x4000  }
0x66: {  	[sflag:s16] =	ssyncset.done $0x0  }
0x67: {  	[sflag:s16] =	ssyncadd.s32 $0xFFFFC000  }
0x68: {  	s31 =	sadd.s32 $0x0, s13;
	[bflag:$0x0] =	sbarrier.arrive $0xFFFF  }
0x69: {  	[tilespmem:s17], [sflag:$0x2] =	stream.linear.gather [hbm4b:s31+s2], $0x80, $0x38;
	[tilespmem:$0x18A00] =	vst v63  }
0x6a: {  	_ =	swait.ge [sflag:s16], $0x80  }
0x6b: {  	[sflag:s16] =	ssyncset.done $0x0  }
0x6c: {  	[sflag:s16] =	ssyncadd.s32 $0xFFFFFF80  }
0x6d: {  	[spmem:s1] =	stream.indirect.scatter.add.f32 [tilespmem:s18], [sflag:$0x2], $0x80, s17, s17, $0xb8;
	[tilespmem:$0x18A00] =	vst v63  }
0x6e: {  	_ =	swait.ge [sflag:s16], $0x4000  }
0x6f: {  	s25 =	simm.s32 $0x10;
	s26 =	simm.s32 $0x20;
	[sflag:s16] =	ssyncset.done $0x0  }
.LBB2_4:
0x70: {  	s28 =	sadd.s32 s25, s13  }
0x71: {  	[sflag:s16] =	ssyncadd.s32 $0xFFFFC000;
	s25 =	smov.u32 s26;
	s29 =	sadd.s32 $0x10, s26  }
0x72: {  	[tilespmem:s17], [sflag:$0x2] =	stream.linear.gather [hbm4b:s28+s2], $0x80, $0x38;
	[tilespmem:$0x18A00] =	vst v63  }
0x73: {  	p0 =	sne.s32 s26, $0x4D0;
	_ =	swait.ge [sflag:s16], $0x80  }
.Ltmp1:
0x74: {  	[sflag:s16] =	ssyncset.done $0x0;
	(pc) =	sbr.rel @p0 .LBB2_4-.Ltmp1, $4  }
0x75: {  	[sflag:s16] =	ssyncadd.s32 $0xFFFFFF80  }
0x76: {  	[spmem:s1] =	stream.indirect.scatter.add.f32 [tilespmem:s18], [sflag:$0x2], $0x80, s17, s17, $0xb8;
	[tilespmem:$0x18A00] =	vst v63  }
0x77: {  	_ =	swait.ge [sflag:s16], $0x4000  }
0x78: {  	s26 =	smov.u32 s29;
	[sflag:s16] =	ssyncset.done $0x0  }
0x79: {  	s25 =	sadd.s32 s25, s13;
	[sflag:s16] =	ssyncadd.s32 $0xFFFFC000  }
0x7a: {  	[tilespmem:s17], [sflag:$0x2] =	stream.linear.gather [hbm4b:s25+s2], $0x80, $0x38;
	[tilespmem:$0x18A00] =	vst v63  }
0x7b: {  	_ =	swait.ge [sflag:s16], $0x80  }
0x7c: {  	[sflag:s16] =	ssyncset.done $0x0  }
0x7d: {  	[sflag:s16] =	ssyncadd.s32 $0xFFFFFF80  }
0x7e: {  	[spmem:s1] =	stream.indirect.scatter.add.f32 [tilespmem:s18], [sflag:$0x2], $0x80, s17, s17, $0xb8;
	[tilespmem:$0x18A00] =	vst v63  }
0x7f: {  	_ =	swait.ge [sflag:s16], $0x4000  }
0x80: {  	[sflag:s16] =	ssyncset.done $0x0  }
0x81: {  	[sflag:s16] =	ssyncadd.s32 $0xFFFFC000  }
0x82: {  	[tilespmem:s21], [sflag:$0x2] =	stream.linear.gather [hbm4b:s9+s2], $0x10, $0x38;
	[tilespmem:$0x18A00] =	vst v63  }
0x83: {  	_ =	swait.ge [sflag:s16], $0x10  }
0x84: {  	[sflag:s16] =	ssyncset.done $0x0  }
0x85: {  	[sflag:s16] =	ssyncadd.s32 $0xFFFFFFF0  }
0x86: {  	[spmem:s1] =	stream.indirect.scatter.add.f32 [tilespmem:s18], [sflag:$0x2], $0x80, s21, s22, $0xb8;
	[tilespmem:$0x18A00] =	vst v63  }
0x87: {  	_ =	swait.ge [sflag:s16], $0x800  }
0x88: {  	s24 =	sadd.s32 $0x1, s24;
	[sflag:s16] =	ssyncset.done $0x0  }
0x89: {  	p0 =	sne.s32 s24, s12;
	[sflag:s16] =	ssyncadd.s32 $0xFFFFF800  }
.Ltmp2:
0x8a: {  	[bflag:$0x0] =	sbarrier.arrive $0xFFFF;
	(pc) =	sbr.rel @p0 .LBB2_1-.Ltmp2, $4  }
0x8b: {  	[hbm:s11], [sflag:s7] =	dma.local [spmem:s15], $0x2800  }
0x8c: {  	_ =	swait.ge [sflag:s16], $0x2800  }
0x8d: {  	[sflag:s16] =	ssyncset.done $0x0  }
0x8e: {  	[sflag:s16] =	ssyncadd.s32 $0xFFFFD800  }
0x8f: {  	_ =	sfence.sel $0x180000  }
0x90: {  	[bflag:$0x0] =	sbarrier.arrive $0xFFFF  }
0x91: {  	p0 =	sne.s32 s3, $0x0;
	_ =	strace $0x9000004A  }
0x92: {  	s0 =	sadd.s32 @!p0 $0x100000, s0;
	[bflag:$0x2] =	sbarrier.arrive $0xFFFF  }
0x93: {  	[sflag:s0] =	ssyncadd.tile.s32 @!p0 $0x1;
	_ =	shalt  }
.Lfunc_end2:
_tile_overlayer_lowered:
.L_overlay_start_2:
0x94: {  	(tag) =	ssettag $0x2  }
0x95: {  	s0 =	rddreg [dreg:$0x0];
	s2 =	stileid.u32  }
0x96: {  	s1 =	rddreg [dreg:$0x1];
	p0 =	sne.s32 s2, $0x0  }
0x97: {  	s3 =	rddreg [dreg:$0x2];
	[bflag:$0x3] =	sbarrier.arrive $0xFFFF;
	s2 =	simm.s32 @!p0 $0x1C02  }
0x98: {  	[timem:s3], [sflag:s2] =	dma.local @!p0 [hbm:s0], s1  }
0x99: {  	s0 =	simm.s32 @!p0 $0x2  }
0x9a: {  	_ =	swait.ge @!p0 [sflag:s0], s1  }
0x9b: {  	s1 =	ssub.s32 @!p0 $0x0, s1;
	[sflag:s0] =	ssyncset.done @!p0 $0x0  }
0x9c: {  	[sflag:s0] =	ssyncadd.s32 @!p0 s1  }
0x9d: {  	[bflag:$0x3] =	sbarrier.arrive $0xFFFF  }
0x9e: {  	_ =	shalt  }

// kernel: kernel.9.cloned.1.call-start
scs
__scs_entry_jumppad:
0x0: {  	(pc) =	sbr.rel $0x88, $3  }
0x1: {  	(tag) =	ssettag $0x0;
	lr =	simm.s32 $0x1  }
0x2: {  	[smem:$0x3F94] =	sst lr;
	_ =	strace $0xD0000000  }
0x3: {  	_ = 	snop  }
0x4: {  	_ = 	snop  }
0x5: {  	_ = 	snop  }
0x6: {  	_ = 	snop  }
0x7: {  	_ = 	snop  }
__scs_overlays_trampoline_lowered:
0x8: {  	[smem:$0x3FA3] =	sst s0  }
0x9: {  	[smem:$0x3FA4] =	sst s1  }
0xa: {  	[smem:$0x3FA5] =	sst s2  }
0xb: {  	[smem:$0x3FA6] =	sst s3  }
0xc: {  	[smem:$0x3FA7] =	sst s4  }
0xd: {  	[smem:$0x3FA8] =	sst s5  }
0xe: {  	[smem:$0x3FA9] =	sst s6  }
0xf: {  	[smem:$0x3FAA] =	sst s7  }
0x10: {  	[smem:$0x3FAB] =	sst s8  }
0x11: {  	[smem:$0x3FAC] =	sst s9;
	s0 =	simm.s32 @!p0 $0x0  }
0x12: {  	s1 =	sld [smem:$0x3F92];
	s0 =	simm.s32 @p0 $0x1  }
0x13: {  	[smem:$0x3FAD] =	sst s0;
	s0 =	simm.s32 @!p1 $0x0  }
0x14: {  	s2 =	sld [smem:$0x3F91];
	s0 =	simm.s32 @p1 $0x1  }
0x15: {  	[smem:$0x3FAE] =	sst s0;
	s0 =	simm.s32 @!p2 $0x0  }
0x16: {  	s3 =	sld [smem:$0x3FDB];
	s0 =	simm.s32 @p2 $0x1  }
0x17: {  	s4 =	simm.s32 $0x1BF5;
	[smem:$0x3FB0] =	sst s0  }
0x18: {  	s0 =	sld [smem:$0x3F93];
	_ =	swait.ge [sflag:s4], $0x0  }
0x19: {  	s7 =	sld [smem:$0x3F94]  }
0x1a: {  	s8 =	sadd.s32 $0xFFFFE003, lr  }
0x1b: {  	s9 =	sadd.s32 $0xFFFFFEF7, lr;
	s5 =	simm.s32 $0xFFFFFFFF;
	p2 =	slt.u32 s8, $0xFFFFF086  }
0x1c: {  	p1 =	slt.u32 s9, $0xF7A;
	s5 =	simm.s32 @!p2 $0x0  }
0x1d: {  	s5 =	simm.s32 @p1 $0x1;
	p0 =	seq.s32 s7, s2  }
0x1e: {  	s7 =	smul.u32 @!p0 $0xF7A, s2;
	p2 =	seq.s32 @!p0 s5, $0x0  }
0x1f: {  	s9 =	smul.u32 $0xF7A, s1;
	s8 =	simm.s32 @!p0 $0x1BF5;
	p2 =	por !p2, p0  }
0x20: {  	[sflag:s8] =	ssyncset.s32 @!p0 $0xFFFFF086;
	s6 =	sadd.s32 @!p0 s3, s7;
	s7 =	simm.s32 @!p0 $0x108  }
0x21: {  	s3 =	sadd.s32 s3, s9;
	s6 =	sadd.s32 @!p0 $0x88, s6;
	s7 =	simm.s32 @p2 $0x1082  }
0x22: {  	[simem:s7], [sflag:s8] =	dma.local @!p0 [hbm:s6], $0xF7A  }
0x23: {  	s9 =	sor.u32 $0xD0000000, s2;
	s6 =	simm.s32 $0x108;
	_ =	swait.ge @!p0 [sflag:s8], $0x0  }
0x24: {  	s3 =	sadd.s32 $0x88, s3;
	s6 =	simm.s32 @!p1 $0x1082;
	[sflag:s4] =	ssyncset.s32 $0xFFFFF086  }
0x25: {  	[simem:s6], [sflag:s4] =	dma.local [hbm:s3], $0xF7A  }
0x26: {  	[smem:$0x3F94] =	sst s1;
	(tag) =	ssettag s2;
	_ =	strace s9  }
0x27: {  	s1 =	sld [smem:$0x3FA4]  }
0x28: {  	s2 =	sld [smem:$0x3FA5]  }
0x29: {  	s4 =	sld [smem:$0x3FA7]  }
0x2a: {  	p0 =	seq.s32 s5, $0x0;
	s5 =	sld [smem:$0x3FA8]  }
0x2b: {  	s6 =	sld [smem:$0x3FA9]  }
0x2c: {  	s7 =	sld [smem:$0x3FAA]  }
0x2d: {  	s3 =	simm.s32 $0x108;
	s8 =	sld [smem:$0x3FAB]  }
0x2e: {  	s3 =	simm.s32 @!p0 $0x1082;
	s9 =	sld [smem:$0x3FAC]  }
0x2f: {  	lr =	sadd.s32 s0, s3;
	s0 =	sld [smem:$0x3FA3]  }
0x30: {  	s3 =	sld [smem:$0x3FA6]  }
0x31: {  	[smem:$0x3FAF] =	sst s10  }
0x32: {  	s10 =	sld [smem:$0x3FAD];
	_ =	sdelay $0x3  }
0x33: {  	p0 =	seq.s32 s10, $0x1;
	s10 =	sld [smem:$0x3FAF];
	_ =	sdelay $0x3  }
0x34: {  	[smem:$0x3FAF] =	sst s10  }
0x35: {  	s10 =	sld [smem:$0x3FAE];
	_ =	sdelay $0x3  }
0x36: {  	p1 =	seq.s32 s10, $0x1;
	s10 =	sld [smem:$0x3FAF];
	_ =	sdelay $0x3  }
0x37: {  	[smem:$0x3FAF] =	sst s10  }
0x38: {  	s10 =	sld [smem:$0x3FB0]  }
0x39: {  	_ = 	snop;
	(pc) =	sbr.ind lr, $3  }
0x3a: {  	_ = 	snop  }
0x3b: {  	_ = 	snop  }
0x3c: {  	p2 =	seq.s32 s10, $0x1;
	s10 =	sld [smem:$0x3FAF]  }
0x3d: {  	_ =	shalt  }
0x3e: {  	_ =	shalt  }
0x3f: {  	_ =	shalt  }
0x40: {  	_ =	shalt  }
0x41: {  	_ =	shalt  }
0x42: {  	_ =	shalt  }
0x43: {  	_ =	shalt  }
0x44: {  	_ =	shalt  }
0x45: {  	_ =	shalt  }
0x46: {  	_ =	shalt  }
0x47: {  	_ =	shalt  }
0x48: {  	_ =	shalt  }
0x49: {  	_ =	shalt  }
0x4a: {  	_ =	shalt  }
0x4b: {  	_ =	shalt  }
0x4c: {  	_ =	shalt  }
0x4d: {  	_ =	shalt  }
0x4e: {  	_ =	shalt  }
0x4f: {  	_ =	shalt  }
0x50: {  	_ =	shalt  }
0x51: {  	_ =	shalt  }
0x52: {  	_ =	shalt  }
0x53: {  	_ =	shalt  }
0x54: {  	_ =	shalt  }
0x55: {  	_ =	shalt  }
0x56: {  	_ =	shalt  }
0x57: {  	_ =	shalt  }
0x58: {  	_ =	shalt  }
0x59: {  	_ =	shalt  }
0x5a: {  	_ =	shalt  }
0x5b: {  	_ =	shalt  }
0x5c: {  	_ =	shalt  }
0x5d: {  	_ =	shalt  }
0x5e: {  	_ =	shalt  }
0x5f: {  	_ =	shalt  }
0x60: {  	_ =	shalt  }
0x61: {  	_ =	shalt  }
0x62: {  	_ =	shalt  }
0x63: {  	_ =	shalt  }
0x64: {  	_ =	shalt  }
0x65: {  	_ =	shalt  }
0x66: {  	_ =	shalt  }
0x67: {  	_ =	shalt  }
0x68: {  	_ =	shalt  }
0x69: {  	_ =	shalt  }
0x6a: {  	_ =	shalt  }
0x6b: {  	_ =	shalt  }
0x6c: {  	_ =	shalt  }
0x6d: {  	_ =	shalt  }
0x6e: {  	_ =	shalt  }
0x6f: {  	_ =	shalt  }
0x70: {  	_ =	shalt  }
0x71: {  	_ =	shalt  }
0x72: {  	_ =	shalt  }
0x73: {  	_ =	shalt  }
0x74: {  	_ =	shalt  }
0x75: {  	_ =	shalt  }
0x76: {  	_ =	shalt  }
0x77: {  	_ =	shalt  }
0x78: {  	_ =	shalt  }
0x79: {  	_ =	shalt  }
0x7a: {  	_ =	shalt  }
0x7b: {  	_ =	shalt  }
0x7c: {  	_ =	shalt  }
0x7d: {  	_ =	shalt  }
0x7e: {  	_ =	shalt  }
0x7f: {  	_ =	shalt  }
0x80: {  	_ =	shalt  }
0x81: {  	_ =	shalt  }
0x82: {  	_ =	shalt  }
0x83: {  	_ =	shalt  }
0x84: {  	_ =	shalt  }
0x85: {  	_ =	shalt  }
0x86: {  	_ =	shalt  }
0x87: {  	_ =	shalt  }
.Lfunc_end0:
.L_simem_size_0:
called_computation_lowered:
.L_overlay_start_0:
0x88: {  	s2 =	sld [smem:$0x3FD9]  }
0x89: {  	s3 =	sld [smem:$0x3FFE];
	_ =	sdelay $0x1  }
0x8a: {  	s1 =	srdreg.scid  }
0x8b: {  	s0 =	sand.u32 $0x1, s1  }
0x8c: {  	s17 =	sshll.u32 s0, $0xA;
	s2 =	sadd.s32 s3, s2  }
0x8d: {  	s2 =	sadd.s32 s2, s17  }
0x8e: {  	[smem:$0x3FBB] =	sst s2  }
0x8f: {  	_ = 	snop  }
0x90: {  	s2 =	sld [smem:$0x3FC6];
	(tm) =	ssettm $0x1  }
0x91: {  	s18 =	sld [smem:$0x3FFB];
	_ =	sdelay $0x3  }
0x92: {  	_ =	strace s18  }
0x93: {  	s3 =	sld [smem:$0x3FFC];
	_ =	sdelay $0x3  }
0x94: {  	_ =	strace s3  }
0x95: {  	s3 =	sld [smem:$0x3FFD];
	_ =	sdelay $0x3  }
0x96: {  	_ =	strace s3  }
0x97: {  	_ =	strace $0x8FFFFFFF  }
0x98: {  	s19 =	sld [smem:$0x3FDB];
	_ =	sdelay $0x1  }
0x99: {  	s4 =	simm.s32 $_scs_section_size  }
0x9a: {  	s5 =	simm.s32 $_size__tile_overlayer_lowered;
	s6 =	simm.s32 $_tile_overlayer_lowered  }
0x9b: {  	s22 =	simm.s32 $0x1BFF;
	s21 =	sshll.u32 s6, $0x1;
	s3 =	sadd.s32 s4, s19  }
0x9c: {  	s7 =	simm.s32 $0x0;
	s20 =	sshll.u32 s5, $0x1;
	s5 =	sadd.s32 s21, s3  }
0x9d: {  	[timem:s7], [sflag:s22] =	dma.local [hbm:s5], s20  }
0x9e: {  	_ =	swait.ge [sflag:s22], s20  }
0x9f: {  	s4 =	ssub.s32 $0x0, s20;
	[sflag:s22] =	ssyncset.done $0x0  }
0xa0: {  	[sflag:s22] =	ssyncadd.s32 s4;
	_ =	sdelay $0x1  }
0xa1: {  	s23 =	simm.s32 $0x1B8B  }
0xa2: {  	_ =	swait.ge [sflag:s23], $0x1  }
0xa3: {  	[sflag:s23] =	ssyncset.done $0x0  }
0xa4: {  	s25 =	simm.s32 $0x1B8E;
	s24 =	sld [smem:$0x3FFE];
	[sflag:s23] =	ssyncadd.s32 $0xFFFFFFFF  }
0xa5: {  	s26 =	simm.s32 $execute0_lowered;
	[smem:$0x3FD2] =	sst s25  }
0xa6: {  	s5 =	sshll.u32 s26, $0x1;
	_ =	strace $0x80000046;
	[dreg:$0x1] =	wrdreg $0xFFFFFFFF  }
0xa7: {  	s28 =	simm.s32 $_size_execute0_lowered;
	s3 =	sadd.s32 s3, s5;
	[dreg:$0x0] =	wrdreg $0x0  }
0xa8: {  	s5 =	sshll.u32 s28, $0x1;
	[dreg:$0x2] =	wrdreg s3  }
0xa9: {  	[dreg:$0x3] =	wrdreg s5  }
0xaa: {  	[dreg:$0x4] =	wrdreg $0xC0  }
0xab: {  	_ =	task [dreg:s7], $0x5FFFF  }
0xac: {  	[dreg:$0x1] =	wrdreg $0xFFFFFFFF  }
0xad: {  	[dreg:$0x0] =	wrdreg $0x60  }
0xae: {  	[dreg:$0x2] =	wrdreg s2  }
0xaf: {  	[dreg:$0x3] =	wrdreg s24  }
0xb0: {  	[dreg:$0x4] =	wrdreg $0x9  }
0xb1: {  	_ =	task.clear_ibuf [dreg:s7], $0x5FFFF;
	_ =	strace $0x90000046  }
0xb2: {  	s29 =	simm.s32 $0x9;
	_ =	strace $0x80000048  }
0xb3: {  	_ =	swait.ge [sflag:s29], $0x1  }
0xb4: {  	[sflag:s29] =	ssyncadd.s32 $0xFFFFFFFF  }
0xb5: {  	_ =	strace $0x90000048  }
0xb6: {  	_ =	sfence  }
0xb7: {  	s30 =	sld [smem:$0x0];
	_ =	sdelay $0x2  }
0xb8: {  	s31 =	sshll.u32 s1, $0xD;
	s1 =	sshrl.u32 s1, $0x2  }
0xb9: {  	s3 =	sand.u32 $0x4000, s31;
	s1 =	sadd.s32 s1, s30  }
0xba: {  	s0 =	sor.u32 s3, s0;
	s1 =	sshll.u32 s1, $0x11  }
0xbb: {  	s0 =	sor.u32 s1, s0  }
0xbc: {  	s0 =	sadd.s32 $0x8F2B, s0  }
0xbd: {  	[sflag:s0] =	ssyncadd.remote.s32 $0x1  }
0xbe: {  	_ =	sfence.sel $0xFFFF  }
0xbf: {  	[dreg:$0x0] =	wrdreg $0xFFFFFFFF;
	(pc) =	sbr.abs _section_cstart, $3  }
0xc0: {  	[dreg:$0x1] =	wrdreg $0xFFFFFFFF  }
0xc1: {  	_ =	task.clear_ibuf [dreg:s7], $0x2FFFF;
	_ =	strace $0x9FFFFFFF  }
0xc2: {  	(tm) =	ssettm $0x7FFFFFFF  }
0xc3: {  	_ =	shalt  }
tec
execute0_lowered:
.L_overlay_start_1:
0x0: {  	(tag) =	ssettag $0x1  }
0x1: {  	s1 =	srdreg.scid;
	s0 =	stileid.u32  }
0x2: {  	s15 =	sand.u32 $0x1, s1;
	s28 =	sshll.u32 s0, $0x1  }
0x3: {  	s2 =	rddreg [dreg:$0x0];
	s9 =	sor.u32 s15, s28  }
0x4: {  	s10 =	rddreg [dreg:$0x1];
	s14 =	smul.u32 $0x140, s9  }
0x5: {  	s3 =	simm.s32 $0x0;
	s1 =	rddreg [dreg:$0x2]  }
0x6: {  	[smem:$0x7FF] =	sst s3;
	s16 =	sadd.s32 $0x1C00, s10;
	s4 =	sshrl.u32 s14, $0x3  }
0x7: {  	_ =	strace $0x80000047;
	s5 =	sadd.s32 s16, s4;
	s4 =	simm.s32 $0x2  }
0x8: {  	[tilespmem:s3], [sflag:$0x2] =	stream.linear.gather [hbm4b:s5+s3], $0x50, $0x38;
	[tilespmem:$0x2880] =	vst v63  }
0x9: {  	_ =	swait.ge [sflag:s4], $0x50  }
0xa: {  	s6 =	simm.s32 $0x50;
	[sflag:s4] =	ssyncset.done $0x0  }
0xb: {  	s7 =	simm.s32 $0x80;
	s8 =	simm.s32 $0x1;
	[sflag:s4] =	ssyncadd.s32 $0xFFFFFFB0  }
0xc: {  	[tilespmem:s7], [sflag:$0x1] =	stream.indirect.gather [hbm4b:s2+s6], $0x80, s3, s6, $0xb8;
	[tilespmem:$0x2880] =	vst v63  }
0xd: {  	s9 =	smul.u32 $0x1400, s9;
	_ =	swait.ge [sflag:s8], $0x2800  }
0xe: {  	s17 =	sadd.s32 $0x2200, s10;
	[sflag:s8] =	ssyncset.done $0x0  }
0xf: {  	s9 =	sadd.s32 s17, s9;
	[sflag:s8] =	ssyncadd.s32 $0xFFFFD800  }
0x10: {  	[hbm4b:s9+s3] =	stream.linear.scatter [tilespmem:s7], [sflag:$0x2], $0x2800, $0x38;
	[tilespmem:$0x2880] =	vst v63  }
0x11: {  	s11 =	sadd.s32 $0x50, s14;
	_ =	swait.ge [sflag:s4], $0x2800  }
0x12: {  	s29 =	sshrl.u32 s11, $0x3;
	[sflag:s4] =	ssyncset.done $0x0  }
0x13: {  	s10 =	sadd.s32 s16, s29;
	[sflag:s4] =	ssyncadd.s32 $0xFFFFD800  }
0x14: {  	[tilespmem:s3], [sflag:$0x2] =	stream.linear.gather [hbm4b:s10+s3], $0x50, $0x38;
	[tilespmem:$0x2880] =	vst v63  }
0x15: {  	_ =	swait.ge [sflag:s4], $0x50  }
0x16: {  	[sflag:s4] =	ssyncset.done $0x0  }
0x17: {  	[sflag:s4] =	ssyncadd.s32 $0xFFFFFFB0  }
0x18: {  	[tilespmem:s7], [sflag:$0x1] =	stream.indirect.gather [hbm4b:s2+s6], $0x80, s3, s6, $0xb8;
	[tilespmem:$0x2880] =	vst v63  }
0x19: {  	_ =	swait.ge [sflag:s8], $0x2800  }
0x1a: {  	s11 =	sshll.u32 s11, $0x4;
	[sflag:s8] =	ssyncset.done $0x0  }
0x1b: {  	s11 =	sadd.s32 s17, s11;
	[sflag:s8] =	ssyncadd.s32 $0xFFFFD800  }
0x1c: {  	[hbm4b:s11+s3] =	stream.linear.scatter [tilespmem:s7], [sflag:$0x2], $0x2800, $0x38;
	[tilespmem:$0x2880] =	vst v63  }
0x1d: {  	s13 =	sadd.s32 $0xA0, s14;
	_ =	swait.ge [sflag:s4], $0x2800  }
0x1e: {  	s12 =	sshrl.u32 s13, $0x3;
	[sflag:s4] =	ssyncset.done $0x0  }
0x1f: {  	s12 =	sadd.s32 s16, s12;
	[sflag:s4] =	ssyncadd.s32 $0xFFFFD800  }
0x20: {  	[tilespmem:s3], [sflag:$0x2] =	stream.linear.gather [hbm4b:s12+s3], $0x50, $0x38;
	[tilespmem:$0x2880] =	vst v63  }
0x21: {  	_ =	swait.ge [sflag:s4], $0x50  }
0x22: {  	[sflag:s4] =	ssyncset.done $0x0  }
0x23: {  	[sflag:s4] =	ssyncadd.s32 $0xFFFFFFB0  }
0x24: {  	[tilespmem:s7], [sflag:$0x1] =	stream.indirect.gather [hbm4b:s2+s6], $0x80, s3, s6, $0xb8;
	[tilespmem:$0x2880] =	vst v63  }
0x25: {  	_ =	swait.ge [sflag:s8], $0x2800  }
0x26: {  	s13 =	sshll.u32 s13, $0x4;
	[sflag:s8] =	ssyncset.done $0x0  }
0x27: {  	s13 =	sadd.s32 s17, s13;
	[sflag:s8] =	ssyncadd.s32 $0xFFFFD800  }
0x28: {  	[hbm4b:s13+s3] =	stream.linear.scatter [tilespmem:s7], [sflag:$0x2], $0x2800, $0x38;
	[tilespmem:$0x2880] =	vst v63  }
0x29: {  	s18 =	sadd.s32 $0xF0, s14;
	_ =	swait.ge [sflag:s4], $0x2800  }
0x2a: {  	s14 =	sshrl.u32 s18, $0x3;
	[sflag:s4] =	ssyncset.done $0x0  }
0x2b: {  	s15 =	ssub.s32 $0x2, s15;
	s14 =	sadd.s32 s16, s14;
	[sflag:s4] =	ssyncadd.s32 $0xFFFFD800  }
0x2c: {  	[tilespmem:s3], [sflag:$0x2] =	stream.linear.gather [hbm4b:s14+s3], $0x50, $0x38;
	[tilespmem:$0x2880] =	vst v63  }
0x2d: {  	s30 =	sshrl.u32 s15, $0x1;
	_ =	swait.ge [sflag:s4], $0x50  }
0x2e: {  	s16 =	ssub.s32 s15, s30;
	[sflag:s4] =	ssyncset.done $0x0  }
0x2f: {  	s16 =	smax.u32 s16, $0x1;
	[sflag:s4] =	ssyncadd.s32 $0xFFFFFFB0  }
0x30: {  	[tilespmem:s7], [sflag:$0x1] =	stream.indirect.gather [hbm4b:s2+s6], $0x80, s3, s6, $0xb8;
	[tilespmem:$0x2880] =	vst v63  }
0x31: {  	p0 =	sne.s32 s16, $0x1;
	_ =	swait.ge [sflag:s8], $0x2800  }
.Ltmp0:
0x32: {  	s31 =	sshll.u32 s18, $0x4;
	[sflag:s8] =	ssyncset.done $0x0;
	(pc) =	sbr.rel @!p0 .LBB2_2-.Ltmp0, $4  }
0x33: {  	s15 =	sadd.s32 s17, s31;
	[sflag:s8] =	ssyncadd.s32 $0xFFFFD800  }
0x34: {  	[hbm4b:s15+s3] =	stream.linear.scatter [tilespmem:s7], [sflag:$0x2], $0x2800, $0x38;
	[tilespmem:$0x2880] =	vst v63  }
0x35: {  	_ =	swait.ge [sflag:s4], $0x2800  }
0x36: {  	s16 =	sadd.s32 $0xFFFFFFFF, s16;
	[sflag:s4] =	ssyncset.done $0x0  }
.LBB2_1:
0x37: {  	p0 =	sne.s32 s16, $0x1;
	s16 =	sadd.s32 $0xFFFFFFFF, s16;
	[sflag:s4] =	ssyncadd.s32 $0xFFFFD800  }
0x38: {  	[tilespmem:s3], [sflag:$0x2] =	stream.linear.gather [hbm4b:s5+s3], $0x50, $0x38;
	[tilespmem:$0x2880] =	vst v63  }
0x39: {  	_ =	swait.ge [sflag:s4], $0x50  }
0x3a: {  	[sflag:s4] =	ssyncset.done $0x0  }
0x3b: {  	[sflag:s4] =	ssyncadd.s32 $0xFFFFFFB0  }
0x3c: {  	[tilespmem:s7], [sflag:$0x1] =	stream.indirect.gather [hbm4b:s2+s6], $0x80, s3, s6, $0xb8;
	[tilespmem:$0x2880] =	vst v63  }
0x3d: {  	_ =	swait.ge [sflag:s8], $0x2800  }
0x3e: {  	[sflag:s8] =	ssyncset.done $0x0  }
0x3f: {  	[sflag:s8] =	ssyncadd.s32 $0xFFFFD800  }
0x40: {  	[hbm4b:s9+s3] =	stream.linear.scatter [tilespmem:s7], [sflag:$0x2], $0x2800, $0x38;
	[tilespmem:$0x2880] =	vst v63  }
0x41: {  	_ =	swait.ge [sflag:s4], $0x2800  }
0x42: {  	[sflag:s4] =	ssyncset.done $0x0  }
0x43: {  	[sflag:s4] =	ssyncadd.s32 $0xFFFFD800  }
0x44: {  	[tilespmem:s3], [sflag:$0x2] =	stream.linear.gather [hbm4b:s10+s3], $0x50, $0x38;
	[tilespmem:$0x2880] =	vst v63  }
0x45: {  	_ =	swait.ge [sflag:s4], $0x50  }
0x46: {  	[sflag:s4] =	ssyncset.done $0x0  }
0x47: {  	[sflag:s4] =	ssyncadd.s32 $0xFFFFFFB0  }
0x48: {  	[tilespmem:s7], [sflag:$0x1] =	stream.indirect.gather [hbm4b:s2+s6], $0x80, s3, s6, $0xb8;
	[tilespmem:$0x2880] =	vst v63  }
0x49: {  	_ =	swait.ge [sflag:s8], $0x2800  }
0x4a: {  	[sflag:s8] =	ssyncset.done $0x0  }
0x4b: {  	[sflag:s8] =	ssyncadd.s32 $0xFFFFD800  }
0x4c: {  	[hbm4b:s11+s3] =	stream.linear.scatter [tilespmem:s7], [sflag:$0x2], $0x2800, $0x38;
	[tilespmem:$0x2880] =	vst v63  }
0x4d: {  	_ =	swait.ge [sflag:s4], $0x2800  }
0x4e: {  	[sflag:s4] =	ssyncset.done $0x0  }
0x4f: {  	[sflag:s4] =	ssyncadd.s32 $0xFFFFD800  }
0x50: {  	[tilespmem:s3], [sflag:$0x2] =	stream.linear.gather [hbm4b:s12+s3], $0x50, $0x38;
	[tilespmem:$0x2880] =	vst v63  }
0x51: {  	_ =	swait.ge [sflag:s4], $0x50  }
0x52: {  	[sflag:s4] =	ssyncset.done $0x0  }
0x53: {  	[sflag:s4] =	ssyncadd.s32 $0xFFFFFFB0  }
0x54: {  	[tilespmem:s7], [sflag:$0x1] =	stream.indirect.gather [hbm4b:s2+s6], $0x80, s3, s6, $0xb8;
	[tilespmem:$0x2880] =	vst v63  }
0x55: {  	_ =	swait.ge [sflag:s8], $0x2800  }
0x56: {  	[sflag:s8] =	ssyncset.done $0x0  }
0x57: {  	[sflag:s8] =	ssyncadd.s32 $0xFFFFD800  }
0x58: {  	[hbm4b:s13+s3] =	stream.linear.scatter [tilespmem:s7], [sflag:$0x2], $0x2800, $0x38;
	[tilespmem:$0x2880] =	vst v63  }
0x59: {  	_ =	swait.ge [sflag:s4], $0x2800  }
0x5a: {  	[sflag:s4] =	ssyncset.done $0x0  }
0x5b: {  	[sflag:s4] =	ssyncadd.s32 $0xFFFFD800  }
0x5c: {  	[tilespmem:s3], [sflag:$0x2] =	stream.linear.gather [hbm4b:s14+s3], $0x50, $0x38;
	[tilespmem:$0x2880] =	vst v63  }
0x5d: {  	_ =	swait.ge [sflag:s4], $0x50  }
0x5e: {  	[sflag:s4] =	ssyncset.done $0x0  }
0x5f: {  	[sflag:s4] =	ssyncadd.s32 $0xFFFFFFB0  }
0x60: {  	[tilespmem:s7], [sflag:$0x1] =	stream.indirect.gather [hbm4b:s2+s6], $0x80, s3, s6, $0xb8;
	[tilespmem:$0x2880] =	vst v63  }
0x61: {  	_ =	swait.ge [sflag:s8], $0x2800  }
.Ltmp1:
0x62: {  	[sflag:s8] =	ssyncset.done $0x0;
	(pc) =	sbr.rel @p0 .LBB2_1-.Ltmp1, $4  }
0x63: {  	[sflag:s8] =	ssyncadd.s32 $0xFFFFD800  }
0x64: {  	[hbm4b:s15+s3] =	stream.linear.scatter [tilespmem:s7], [sflag:$0x2], $0x2800, $0x38;
	[tilespmem:$0x2880] =	vst v63  }
0x65: {  	_ =	swait.ge [sflag:s4], $0x2800  }
0x66: {  	[sflag:s4] =	ssyncset.done $0x0  }
.LBB2_2:
0x67: {  	[sflag:s4] =	ssyncadd.s32 $0xFFFFD800  }
0x68: {  	_ =	sfence.sel $0x180000  }
0x69: {  	[bflag:$0x0] =	sbarrier.arrive $0xFFFF  }
0x6a: {  	p0 =	sne.s32 s0, $0x0;
	_ =	strace $0x90000047  }
0x6b: {  	s0 =	sadd.s32 @!p0 $0x100000, s1;
	[bflag:$0x2] =	sbarrier.arrive $0xFFFF  }
0x6c: {  	[sflag:s0] =	ssyncadd.tile.s32 @!p0 $0x1;
	_ =	shalt  }
.Lfunc_end2:
_tile_overlayer_lowered:
.L_overlay_start_2:
0x6d: {  	(tag) =	ssettag $0x2  }
0x6e: {  	s0 =	rddreg [dreg:$0x0];
	s2 =	stileid.u32  }
0x6f: {  	s1 =	rddreg [dreg:$0x1];
	p0 =	sne.s32 s2, $0x0  }
0x70: {  	s3 =	rddreg [dreg:$0x2];
	[bflag:$0x3] =	sbarrier.arrive $0xFFFF;
	s2 =	simm.s32 @!p0 $0x1C02  }
0x71: {  	[timem:s3], [sflag:s2] =	dma.local @!p0 [hbm:s0], s1  }
0x72: {  	s0 =	simm.s32 @!p0 $0x2  }
0x73: {  	_ =	swait.ge @!p0 [sflag:s0], s1  }
0x74: {  	s1 =	ssub.s32 @!p0 $0x0, s1;
	[sflag:s0] =	ssyncset.done @!p0 $0x0  }
0x75: {  	[sflag:s0] =	ssyncadd.s32 @!p0 s1  }
0x76: {  	[bflag:$0x3] =	sbarrier.arrive $0xFFFF  }
0x77: {  	_ =	shalt  }

</sc_bundles>
